<compile_context>
chip_gen: v7x
topology: tpu7x:2x2x1
jax: 0.10.2.dev20260603
libtpu: 0.0.44.dev20260713+nightly
codegen_flags: <defaults>
</compile_context>

<pallas_src>
import functools

import jax
import jax.numpy as jnp
from jax import lax
from jax.experimental import pallas as pl
from jax.experimental.pallas import tpu as pltpu
from jax.experimental.pallas import tpu_sc as plsc

N = 10000
E = 320000
F = 128
H = 128
T = 3
B = 16
ITER = 3

ROWS = 400
NBLK = N // ROWS

NC = 2
NS = 16
NW = NC * NS
CH = 64
NCH_MAIN = E // (NW * CH)
NCH = NCH_MAIN + 1
NXW = (E - NW * NCH_MAIN * CH) // CH
NPAD = 10240
STRIP = NPAD // NS

_pallas_call = pl.pallas_call
_f32 = jnp.float32


_bf16 = jnp.bfloat16


def _dot(a, b):
    return jnp.dot(a, b, preferred_element_type=_f32)


_PARALLEL = pltpu.CompilerParams(dimension_semantics=("parallel",))
_ARBITRARY = pltpu.CompilerParams(dimension_semantics=("arbitrary",))



def _stage_init_body(x_ref, wi_ref, bi_ref, we_ref, be_ref, h_ref, g_ref):
    xb = x_ref[...]
    hb = _dot(xb, wi_ref[...]) + bi_ref[...]
    h_ref[...] = hb
    for t in range(T):
        g_ref[t] = _dot(hb, we_ref[t]) + be_ref[t]


def _stage_init(x, w_init, b_init2, w_edge, b_edge2):
    return _pallas_call(
        _stage_init_body,
        grid=(NBLK,),
        in_specs=[
            pl.BlockSpec((ROWS, F), lambda i: (i, 0)),
            pl.BlockSpec((F, H), lambda i: (0, 0)),
            pl.BlockSpec((1, H), lambda i: (0, 0)),
            pl.BlockSpec((T, H, H), lambda i: (0, 0, 0)),
            pl.BlockSpec((T, H), lambda i: (0, 0)),
        ],
        out_specs=[
            pl.BlockSpec((ROWS, H), lambda i: (i, 0)),
            pl.BlockSpec((T, ROWS, H), lambda i: (0, i, 0)),
        ],
        out_shape=[
            jax.ShapeDtypeStruct((N, H), _f32),
            jax.ShapeDtypeStruct((T, N, H), _f32),
        ],
        compiler_params=_PARALLEL,
    )(x, w_init, b_init2, w_edge, b_edge2)


def _gru_block(mp_ref, h_ref, wih_ref, whh_ref, bih_ref, bhh_ref):
    m = mp_ref[0] + mp_ref[1]
    h = h_ref[...]
    gi = _dot(m, wih_ref[...]) + bih_ref[...]
    gh = _dot(h, whh_ref[...]) + bhh_ref[...]
    r = jax.nn.sigmoid(gi[:, 0:H] + gh[:, 0:H])
    z = jax.nn.sigmoid(gi[:, H:2 * H] + gh[:, H:2 * H])
    n = jnp.tanh(gi[:, 2 * H:] + r * gh[:, 2 * H:])
    return (1.0 - z) * n + z * h


def _stage_gru_body(mp_ref, h_ref, wih_ref, whh_ref, bih_ref,
                    bhh_ref, we_ref, be_ref, hn_ref, g_ref):
    hn = _gru_block(mp_ref, h_ref, wih_ref, whh_ref, bih_ref, bhh_ref)
    hn_ref[...] = hn
    for t in range(T):
        g_ref[t] = _dot(hn, we_ref[t]) + be_ref[t]


def _stage_gru(msg_partial, h, w_ih, w_hh, b_ih2, b_hh2, w_edge, b_edge2):
    return _pallas_call(
        _stage_gru_body,
        grid=(NBLK,),
        in_specs=[
            pl.BlockSpec((NC, ROWS, H), lambda i: (0, i, 0)),
            pl.BlockSpec((ROWS, H), lambda i: (i, 0)),
            pl.BlockSpec((H, 3 * H), lambda i: (0, 0)),
            pl.BlockSpec((H, 3 * H), lambda i: (0, 0)),
            pl.BlockSpec((1, 3 * H), lambda i: (0, 0)),
            pl.BlockSpec((1, 3 * H), lambda i: (0, 0)),
            pl.BlockSpec((T, H, H), lambda i: (0, 0, 0)),
            pl.BlockSpec((T, H), lambda i: (0, 0)),
        ],
        out_specs=[
            pl.BlockSpec((ROWS, H), lambda i: (i, 0)),
            pl.BlockSpec((T, ROWS, H), lambda i: (0, i, 0)),
        ],
        out_shape=[
            jax.ShapeDtypeStruct((N, H), _f32),
            jax.ShapeDtypeStruct((T, N, H), _f32),
        ],
        compiler_params=_PARALLEL,
    )(msg_partial, h, w_ih, w_hh, b_ih2, b_hh2, w_edge, b_edge2)


def _stage_final_body(mp_ref, h_ref, wih_ref, whh_ref, bih_ref, bhh_ref,
                      x_ref, b_ref, wfih_ref, wfix_ref, bfi_ref,
                      wfjh_ref, wfjx_ref, bfj_ref, ws_ref, bs_ref,
                      wfc_ref, bfc_ref, o_ref, acc_ref):
    i = pl.program_id(0)

    @pl.when(i == 0)
    def _():
        acc_ref[...] = jnp.zeros((B, H), _f32)

    hb = _gru_block(mp_ref, h_ref, wih_ref, whh_ref, bih_ref, bhh_ref)
    xb = x_ref[...]
    fi = _dot(hb, wfih_ref[...]) + _dot(xb, wfix_ref[...]) + bfi_ref[...]
    fj = jnp.tanh(_dot(hb, wfjh_ref[...]) + _dot(xb, wfjx_ref[...])
                  + bfj_ref[...])
    srow = jnp.sum(fi * ws_ref[...], axis=1, keepdims=True) + bs_ref[0, 0]
    wgt = jax.nn.sigmoid(srow) * fj
    bid = b_ref[0, 0, :]
    onehot = (lax.broadcasted_iota(jnp.int32, (B, ROWS), 0)
              == bid[None, :]).astype(_f32)
    acc_ref[...] += _dot(onehot, wgt)

    @pl.when(i == NBLK - 1)
    def _():
        o_ref[...] = _dot(jnp.tanh(acc_ref[...]), wfc_ref[...]) + bfc_ref[...]


def _stage_final(msg_partial, h, w_ih, w_hh, b_ih2, b_hh2, x, batch3,
                 w_fi_h, w_fi_x, b_fi2, w_fj_h, w_fj_x, b_fj2, ws_row,
                 bs11, w_fc, b_fc2):
    return _pallas_call(
        _stage_final_body,
        grid=(NBLK,),
        in_specs=[
            pl.BlockSpec((NC, ROWS, H), lambda i: (0, i, 0)),
            pl.BlockSpec((ROWS, H), lambda i: (i, 0)),
            pl.BlockSpec((H, 3 * H), lambda i: (0, 0)),
            pl.BlockSpec((H, 3 * H), lambda i: (0, 0)),
            pl.BlockSpec((1, 3 * H), lambda i: (0, 0)),
            pl.BlockSpec((1, 3 * H), lambda i: (0, 0)),
            pl.BlockSpec((ROWS, F), lambda i: (i, 0)),
            pl.BlockSpec((1, 1, ROWS), lambda i: (i, 0, 0)),
            pl.BlockSpec((H, H), lambda i: (0, 0)),
            pl.BlockSpec((F, H), lambda i: (0, 0)),
            pl.BlockSpec((1, H), lambda i: (0, 0)),
            pl.BlockSpec((H, H), lambda i: (0, 0)),
            pl.BlockSpec((F, H), lambda i: (0, 0)),
            pl.BlockSpec((1, H), lambda i: (0, 0)),
            pl.BlockSpec((1, H), lambda i: (0, 0)),
            pl.BlockSpec((1, 1), lambda i: (0, 0)),
            pl.BlockSpec((H, H), lambda i: (0, 0)),
            pl.BlockSpec((1, H), lambda i: (0, 0)),
        ],
        out_specs=pl.BlockSpec((B, H), lambda i: (0, 0)),
        out_shape=jax.ShapeDtypeStruct((B, H), _f32),
        scratch_shapes=[pltpu.VMEM((B, H), _f32)],
        compiler_params=_ARBITRARY,
    )(msg_partial, h, w_ih, w_hh, b_ih2, b_hh2, x, batch3, w_fi_h, w_fi_x,
      b_fi2, w_fj_h, w_fj_x, b_fj2, ws_row, bs11, w_fc, b_fc2)



def _sc_body(g_hbm, gidx_hbm, dst_hbm, zeros_hbm, out_hbm,
             gidx_v, dst_v, rows_a, rows_b, acc_sh,
             sem_a, sem_b, sem_p):
    cid = lax.axis_index("c")
    sid = lax.axis_index("s")
    wid = sid * NC + cid

    z = pltpu.make_async_copy(zeros_hbm, acc_sh.at[pl.ds(sid * STRIP, STRIP)],
                              sem_p)
    gi = pltpu.make_async_copy(
        gidx_hbm.at[pl.ds(wid * (NCH * CH), NCH * CH)], gidx_v, sem_p)
    di = pltpu.make_async_copy(dst_hbm.at[wid], dst_v, sem_p)
    z.start()
    gi.start()
    di.start()
    z.wait()
    gi.wait()
    di.wait()
    plsc.subcore_barrier()

    def gat(j, buf, sem):
        return pltpu.make_async_copy(
            g_hbm.at[gidx_v.at[pl.ds(j * CH, CH)]], buf, sem)

    def sca(j, buf):
        pltpu.sync_copy(buf, acc_sh.at[dst_v.at[j]], add=True)

    gat(0, rows_a, sem_a).start()
    gat(1, rows_b, sem_b).start()

    @pl.loop(0, NCH_MAIN - 2, step=2)
    def _(j):
        gat(j, rows_a, sem_a).wait()
        sca(j, rows_a)
        gat(j + 2, rows_a, sem_a).start()
        gat(j + 1, rows_b, sem_b).wait()
        sca(j + 1, rows_b)
        gat(j + 3, rows_b, sem_b).start()

    gat(NCH_MAIN - 2, rows_a, sem_a).wait()
    sca(NCH_MAIN - 2, rows_a)
    gat(NCH_MAIN - 1, rows_b, sem_b).wait()
    sca(NCH_MAIN - 1, rows_b)

    @pl.when(wid < NXW)
    def _():
        pltpu.sync_copy(g_hbm.at[gidx_v.at[pl.ds(NCH_MAIN * CH, CH)]], rows_a)
        sca(NCH_MAIN, rows_a)

    plsc.subcore_barrier()
    pltpu.sync_copy(acc_sh.at[pl.ds(sid * STRIP, STRIP)],
                    out_hbm.at[cid, pl.ds(sid * STRIP, STRIP)])


def _sc_messages(g_table, gidx_r, dst_r, zeros):
    mesh = plsc.VectorSubcoreMesh(core_axis_name="c", subcore_axis_name="s")
    k = pl.kernel(
        _sc_body,
        mesh=mesh,
        out_type=jax.ShapeDtypeStruct((NC, NPAD, H), _f32),
        scratch_types=[
            pltpu.VMEM((NCH * CH,), jnp.int32),
            pltpu.VMEM((NCH, CH), jnp.int32),
            pltpu.VMEM((CH, H), _f32),
            pltpu.VMEM((CH, H), _f32),
            pltpu.VMEM_SHARED((NPAD, H), _f32),
            pltpu.SemaphoreType.DMA,
            pltpu.SemaphoreType.DMA,
            pltpu.SemaphoreType.DMA,
        ],
    )
    return k(g_table, gidx_r, dst_r, zeros)



def kernel(x, edge_index, edge_attr, batch, W_init, b_init, W_edge, b_edge,
           bias, W_ih, W_hh, b_ih, b_hh, W_fi, b_fi, W_fj, b_fj, W_score,
           b_score, W_fc, b_fc):
    src = edge_index[0]
    dst = edge_index[1]

    gidx = edge_attr.astype(jnp.int32) * N + src
    e_main = NW * NCH_MAIN * CH
    gidx_main = gidx[:e_main].reshape(NW, NCH_MAIN * CH)
    gidx_x = jnp.zeros((NW, CH), jnp.int32).at[:NXW].set(
        gidx[e_main:].reshape(NXW, CH))
    gidx_r = jnp.concatenate([gidx_main, gidx_x], axis=1).reshape(-1)
    dst_main = dst[:e_main].reshape(NW, NCH_MAIN, CH)
    dst_x = jnp.zeros((NW, 1, CH), jnp.int32).at[:NXW].set(
        dst[e_main:].reshape(NXW, 1, CH))
    dst_r = jnp.concatenate([dst_main, dst_x], axis=1)
    zeros = jnp.zeros((STRIP, H), _f32)

    b_init2 = b_init.reshape(1, H)
    b_edge2 = b_edge + bias[None, :]
    b_ih2 = b_ih.reshape(1, 3 * H)
    b_hh2 = b_hh.reshape(1, 3 * H)

    wi_b = W_init
    we_b = W_edge
    wih_b = W_ih
    whh_b = W_hh

    h, g = _stage_init(x, wi_b, b_init2, we_b, b_edge2)
    for it in range(ITER - 1):
        msg_partial = _sc_messages(g.reshape(T * N, H), gidx_r, dst_r, zeros)
        h, g = _stage_gru(msg_partial, h, wih_b, whh_b, b_ih2, b_hh2, we_b,
                          b_edge2)

    msg_partial = _sc_messages(g.reshape(T * N, H), gidx_r, dst_r, zeros)
    batch3 = batch.reshape(NBLK, 1, ROWS)
    return _stage_final(
        msg_partial, h, wih_b, whh_b, b_ih2, b_hh2, x, batch3,
        W_fi[:H], W_fi[H:], b_fi.reshape(1, H),
        W_fj[:H], W_fj[H:], b_fj.reshape(1, H),
        W_score.reshape(1, H), b_score.reshape(1, 1),
        W_fc, b_fc.reshape(1, H))

# --- scband reference (transcript-rebuilt; emitter-appended) ---
"""Pipeline reference for scband-ggnn-27032524161821 (READ-ONLY COPY).

The authoritative reference and input builder live on the scoring server;
editing this copy changes nothing except your own understanding.
"""

import jax, jax.numpy as jnp
import numpy as np

N = 10000
E = 320000
F = 128
H = 128
T = 3
B = 16
ITER = 3


def setup_inputs(seed: int = 0) -> dict:
    key = jax.random.key(seed)
    ks = jax.random.split(key, 24)
    s = 0.05
    inp = {}
    inp["x"] = jax.random.normal(ks[0], (N, F), dtype=jnp.float32)
    inp["edge_index"] = jax.random.randint(ks[1], (2, E), 0, N, dtype=jnp.int32)
    inp["edge_attr"] = jax.random.randint(ks[2], (E,), 0, T, dtype=jnp.int32)
    inp["batch"] = jnp.sort(jax.random.randint(ks[3], (N,), 0, B, dtype=jnp.int32))
    inp["W_init"] = jax.random.normal(ks[4], (F, H), dtype=jnp.float32) * s
    inp["b_init"] = jnp.zeros((H,), dtype=jnp.float32)
    inp["W_edge"] = jax.random.normal(ks[5], (T, H, H), dtype=jnp.float32) * s
    inp["b_edge"] = jnp.zeros((T, H), dtype=jnp.float32)
    inp["bias"] = jnp.zeros((H,), dtype=jnp.float32)
    inp["W_ih"] = jax.random.normal(ks[6], (H, 3 * H), dtype=jnp.float32) * s
    inp["W_hh"] = jax.random.normal(ks[7], (H, 3 * H), dtype=jnp.float32) * s
    inp["b_ih"] = jnp.zeros((3 * H,), dtype=jnp.float32)
    inp["b_hh"] = jnp.zeros((3 * H,), dtype=jnp.float32)
    inp["W_fi"] = jax.random.normal(ks[8], (H + F, H), dtype=jnp.float32) * s
    inp["b_fi"] = jnp.zeros((H,), dtype=jnp.float32)
    inp["W_fj"] = jax.random.normal(ks[9], (H + F, H), dtype=jnp.float32) * s
    inp["b_fj"] = jnp.zeros((H,), dtype=jnp.float32)
    inp["W_score"] = jax.random.normal(ks[10], (H, 1), dtype=jnp.float32) * s
    inp["b_score"] = jnp.zeros((1,), dtype=jnp.float32)
    inp["W_fc"] = jax.random.normal(ks[11], (H, H), dtype=jnp.float32) * s
    inp["b_fc"] = jnp.zeros((H,), dtype=jnp.float32)
    return inp


def _gru_cell(msg, h, W_ih, W_hh, b_ih, b_hh):
    gi = msg @ W_ih + b_ih
    gh = h @ W_hh + b_hh
    i_r, i_z, i_n = jnp.split(gi, 3, axis=1)
    h_r, h_z, h_n = jnp.split(gh, 3, axis=1)
    r = jax.nn.sigmoid(i_r + h_r)
    z = jax.nn.sigmoid(i_z + h_z)
    n = jnp.tanh(i_n + r * h_n)
    return (1.0 - z) * n + z * h


def reference(x, edge_index, edge_attr, batch, W_init, b_init, W_edge, b_edge, bias,
              W_ih, W_hh, b_ih, b_hh, W_fi, b_fi, W_fj, b_fj, W_score, b_score, W_fc, b_fc):
    src = edge_index[0]
    dst = edge_index[1]
    h = x @ W_init + b_init
    for _ in range(ITER):
        messages = jnp.zeros_like(h)
        h_src = h[src]
        for t in range(T):
            mask = (edge_attr == t).astype(h.dtype)[:, None]
            msg = (h_src @ W_edge[t] + b_edge[t] + bias) * mask
            messages = messages.at[dst].add(msg)
        h = _gru_cell(messages, h, W_ih, W_hh, b_ih, b_hh)
    concat = jnp.concatenate([h, x], axis=1)
    fi = concat @ W_fi + b_fi
    scores = jax.nn.sigmoid(fi @ W_score + b_score)
    fj = jnp.tanh(concat @ W_fj + b_fj)
    weighted = scores * fj
    h_g = jax.ops.segment_sum(weighted, batch, num_segments=B)
    h_g = jnp.tanh(h_g)
    h_g = h_g @ W_fc + b_fc
    return h_g

if __name__ == "__main__":
    import jax
    _d = setup_inputs()
    print(jax.jit(kernel)(*tuple(_d.values())))

</pallas_src>

<mosaic_0001>
#map = affine_map<(d0, d1) -> (0, 0)>
#map1 = affine_map<(d0, d1) -> (0)>
#map2 = affine_map<(d0, d1) -> (0, 0, 0)>
module attributes {stable_mosaic.version = 14 : i64} {
  func.func @_sc_body(%arg0: i32, %arg1: i32, %arg2: memref<30000x128xf32, #tpu.memory_space<hbm>>, %arg3: memref<321536xi32, #tpu.memory_space<hbm>>, %arg4: memref<32x157x64xi32, #tpu.memory_space<hbm>>, %arg5: memref<640x128xf32, #tpu.memory_space<hbm>>, %arg6: memref<2x10240x128xf32, #tpu.memory_space<hbm>>, %arg7: memref<10048xi32, #tpu.memory_space<vmem>>, %arg8: memref<157x64xi32, #tpu.memory_space<vmem>>, %arg9: memref<64x128xf32, #tpu.memory_space<vmem>>, %arg10: memref<64x128xf32, #tpu.memory_space<vmem>>, %arg11: memref<10240x128xf32, #tpu.memory_space<vmem_shared>>, %arg12: memref<!tpu.dma_semaphore, #tpu.memory_space<semaphore_mem>>, %arg13: memref<!tpu.dma_semaphore, #tpu.memory_space<semaphore_mem>>, %arg14: memref<!tpu.dma_semaphore, #tpu.memory_space<semaphore_mem>>) attributes {dimension_semantics = [#tpu.dimension_semantics<core_parallel>, #tpu.dimension_semantics<subcore_parallel>], iteration_bounds = array<i64: 2, 16>, scalar_prefetch = 0 : i64, scratch_operands = 8 : i64, tpu.core_type = #tpu.core_type<sc_vector_subcore>, window_params = [{transform_indices = #map}, {transform_indices = #map1}, {transform_indices = #map2}, {transform_indices = #map}, {transform_indices = #map2}]} {
    %mul3A = arith.constant 2 : i32
    %mul3A_0 = arith.muli %arg1, %mul3A : i32
    %add3A = arith.addi %mul3A_0, %arg0 : i32
    %mul3A_1 = arith.constant 640 : i32
    %mul3A_2 = arith.muli %arg1, %mul3A_1 : i32
    %mul3A_3 = arith.constant 10048 : i32
    %mul3A_4 = arith.muli %add3A, %mul3A_3 : i32
    %dma_start3A = arith.constant 0 : i32
    %dma_start3A_5 = tpu.memref_slice %arg11[%mul3A_2, %dma_start3A] : memref<10240x128xf32, #tpu.memory_space<vmem_shared>> -> memref<640x128xf32, #tpu.memory_space<vmem_shared>>
    tpu.enqueue_dma source(%arg5 : memref<640x128xf32, #tpu.memory_space<hbm>>) target(%dma_start3A_5 : memref<640x128xf32, #tpu.memory_space<vmem_shared>>) target_semaphore(%arg14 : memref<!tpu.dma_semaphore, #tpu.memory_space<semaphore_mem>>)
    %dma_start3A_6 = tpu.memref_slice %arg3[%mul3A_4] : memref<321536xi32, #tpu.memory_space<hbm>> -> memref<10048xi32, #tpu.memory_space<hbm>>
    %dma_start3A_7 = tpu.memref_slice %arg3[%mul3A_4] : memref<321536xi32, #tpu.memory_space<hbm>> -> memref<10048xi32, #tpu.memory_space<hbm>>
    tpu.enqueue_dma source(%dma_start3A_7 : memref<10048xi32, #tpu.memory_space<hbm>>) target(%arg7 : memref<10048xi32, #tpu.memory_space<vmem>>) target_semaphore(%arg14 : memref<!tpu.dma_semaphore, #tpu.memory_space<semaphore_mem>>)
    %dma_start3A_8 = arith.constant 0 : i32
    %dma_start3A_9 = arith.constant 0 : i32
    %dma_start3A_10 = tpu.memref_slice %arg4[%add3A, %dma_start3A_8, %dma_start3A_9] : memref<32x157x64xi32, #tpu.memory_space<hbm>> -> memref<1x157x64xi32, #tpu.memory_space<hbm>>
    %dma_start3A_11 = tpu.memref_squeeze %dma_start3A_10 : memref<1x157x64xi32, #tpu.memory_space<hbm>> -> memref<157x64xi32, #tpu.memory_space<hbm>>
    %dma_start3A_12 = arith.constant 0 : i32
    %dma_start3A_13 = arith.constant 0 : i32
    %dma_start3A_14 = tpu.memref_slice %arg4[%add3A, %dma_start3A_12, %dma_start3A_13] : memref<32x157x64xi32, #tpu.memory_space<hbm>> -> memref<1x157x64xi32, #tpu.memory_space<hbm>>
    %dma_start3A_15 = tpu.memref_squeeze %dma_start3A_14 : memref<1x157x64xi32, #tpu.memory_space<hbm>> -> memref<157x64xi32, #tpu.memory_space<hbm>>
    tpu.enqueue_dma source(%dma_start3A_15 : memref<157x64xi32, #tpu.memory_space<hbm>>) target(%arg8 : memref<157x64xi32, #tpu.memory_space<vmem>>) target_semaphore(%arg14 : memref<!tpu.dma_semaphore, #tpu.memory_space<semaphore_mem>>)
    %dma_wait3A = arith.constant 0 : i32
    %dma_wait3A_16 = tpu.memref_slice %arg11[%mul3A_2, %dma_wait3A] : memref<10240x128xf32, #tpu.memory_space<vmem_shared>> -> memref<640x128xf32, #tpu.memory_space<vmem_shared>>
    tpu.wait_dma2 semaphore(%arg14 : memref<!tpu.dma_semaphore, #tpu.memory_space<semaphore_mem>>) src(%arg5 : memref<640x128xf32, #tpu.memory_space<hbm>>) dst(%dma_wait3A_16 : memref<640x128xf32, #tpu.memory_space<vmem_shared>>)
    %dma_wait3A_17 = tpu.memref_slice %arg3[%mul3A_4] : memref<321536xi32, #tpu.memory_space<hbm>> -> memref<10048xi32, #tpu.memory_space<hbm>>
    %dma_wait3A_18 = tpu.memref_slice %arg3[%mul3A_4] : memref<321536xi32, #tpu.memory_space<hbm>> -> memref<10048xi32, #tpu.memory_space<hbm>>
    tpu.wait_dma2 semaphore(%arg14 : memref<!tpu.dma_semaphore, #tpu.memory_space<semaphore_mem>>) src(%dma_wait3A_18 : memref<10048xi32, #tpu.memory_space<hbm>>) dst(%arg7 : memref<10048xi32, #tpu.memory_space<vmem>>)
    %dma_wait3A_19 = arith.constant 0 : i32
    %dma_wait3A_20 = arith.constant 0 : i32
    %dma_wait3A_21 = tpu.memref_slice %arg4[%add3A, %dma_wait3A_19, %dma_wait3A_20] : memref<32x157x64xi32, #tpu.memory_space<hbm>> -> memref<1x157x64xi32, #tpu.memory_space<hbm>>
    %dma_wait3A_22 = tpu.memref_squeeze %dma_wait3A_21 : memref<1x157x64xi32, #tpu.memory_space<hbm>> -> memref<157x64xi32, #tpu.memory_space<hbm>>
    %dma_wait3A_23 = arith.constant 0 : i32
    %dma_wait3A_24 = arith.constant 0 : i32
    %dma_wait3A_25 = tpu.memref_slice %arg4[%add3A, %dma_wait3A_23, %dma_wait3A_24] : memref<32x157x64xi32, #tpu.memory_space<hbm>> -> memref<1x157x64xi32, #tpu.memory_space<hbm>>
    %dma_wait3A_26 = tpu.memref_squeeze %dma_wait3A_25 : memref<1x157x64xi32, #tpu.memory_space<hbm>> -> memref<157x64xi32, #tpu.memory_space<hbm>>
    tpu.wait_dma2 semaphore(%arg14 : memref<!tpu.dma_semaphore, #tpu.memory_space<semaphore_mem>>) src(%dma_wait3A_26 : memref<157x64xi32, #tpu.memory_space<hbm>>) dst(%arg8 : memref<157x64xi32, #tpu.memory_space<vmem>>)
    %barrier3A = arith.constant 0 : index
    tpu.barrier barrier_id(%barrier3A)
    %dma_start3A_27 = arith.constant 0 : i32
    %dma_start3A_28 = tpu.memref_slice %arg7[%dma_start3A_27] : memref<10048xi32, #tpu.memory_space<vmem>> -> memref<64xi32, #tpu.memory_space<vmem>>
    %dma_start3A_29 = arith.constant 0 : i32
    %dma_start3A_30 = arith.constant 0 : i32
    %dma_start3A_31 = tpu.memref_slice %arg2[%dma_start3A_29, %dma_start3A_30] : memref<30000x128xf32, #tpu.memory_space<hbm>> -> memref<30000x128xf32, #tpu.memory_space<hbm>>
    tpu.enqueue_indirect_dma source(%dma_start3A_31 : memref<30000x128xf32, #tpu.memory_space<hbm>>) target(%arg9 : memref<64x128xf32, #tpu.memory_space<vmem>>) offsets(%dma_start3A_28 : memref<64xi32, #tpu.memory_space<vmem>>) semaphore(%arg12 : memref<!tpu.dma_semaphore, #tpu.memory_space<semaphore_mem>>)
    %dma_start3A_32 = arith.constant 64 : i32
    %dma_start3A_33 = tpu.memref_slice %arg7[%dma_start3A_32] : memref<10048xi32, #tpu.memory_space<vmem>> -> memref<64xi32, #tpu.memory_space<vmem>>
    %dma_start3A_34 = arith.constant 0 : i32
    %dma_start3A_35 = arith.constant 0 : i32
    %dma_start3A_36 = tpu.memref_slice %arg2[%dma_start3A_34, %dma_start3A_35] : memref<30000x128xf32, #tpu.memory_space<hbm>> -> memref<30000x128xf32, #tpu.memory_space<hbm>>
    tpu.enqueue_indirect_dma source(%dma_start3A_36 : memref<30000x128xf32, #tpu.memory_space<hbm>>) target(%arg10 : memref<64x128xf32, #tpu.memory_space<vmem>>) offsets(%dma_start3A_33 : memref<64xi32, #tpu.memory_space<vmem>>) semaphore(%arg13 : memref<!tpu.dma_semaphore, #tpu.memory_space<semaphore_mem>>)
    %scan3A = arith.constant 0 : i32
    %scan3A_37 = arith.constant 77 : i32
    %scan3A_38 = arith.addi %scan3A, %scan3A_37 : i32
    %scan3A_39 = arith.constant 1 : i32
    scf.for %scan3A_59 = %scan3A to %scan3A_38 step %scan3A_39  : i32 {
      %mul3A_60 = arith.constant 2 : i32
      %mul3A_61 = arith.muli %scan3A_59, %mul3A_60 : i32
      %add3A_62 = arith.constant 0 : i32
      %add3A_63 = arith.addi %add3A_62, %mul3A_61 : i32
      %mul3A_64 = arith.constant 64 : i32
      %mul3A_65 = arith.muli %add3A_63, %mul3A_64 : i32
      %dma_wait3A_66 = tpu.memref_slice %arg7[%mul3A_65] : memref<10048xi32, #tpu.memory_space<vmem>> -> memref<64xi32, #tpu.memory_space<vmem>>
      %dma_wait3A_67 = arith.constant 0 : i32
      %dma_wait3A_68 = arith.constant 0 : i32
      %dma_wait3A_69 = tpu.memref_slice %arg2[%dma_wait3A_67, %dma_wait3A_68] : memref<30000x128xf32, #tpu.memory_space<hbm>> -> memref<30000x128xf32, #tpu.memory_space<hbm>>
      tpu.wait_indirect_dma semaphore(%arg12 : memref<!tpu.dma_semaphore, #tpu.memory_space<semaphore_mem>>) src(%dma_wait3A_69 : memref<30000x128xf32, #tpu.memory_space<hbm>>) dst(%arg9 : memref<64x128xf32, #tpu.memory_space<vmem>>)
      "tpu.region"() ({
        %run_scoped3A_96 = tpu.sem_alloc : memref<!tpu.dma_semaphore, #tpu.memory_space<semaphore_mem>>
        %dma_start3A_97 = arith.constant 0 : i32
        %dma_start3A_98 = tpu.memref_slice %arg8[%add3A_63, %dma_start3A_97] : memref<157x64xi32, #tpu.memory_space<vmem>> -> memref<1x64xi32, #tpu.memory_space<vmem>>
        %dma_start3A_99 = tpu.memref_squeeze %dma_start3A_98 : memref<1x64xi32, #tpu.memory_space<vmem>> -> memref<64xi32, #tpu.memory_space<vmem>>
        %dma_start3A_100 = arith.constant 0 : i32
        %dma_start3A_101 = arith.constant 0 : i32
        %dma_start3A_102 = tpu.memref_slice %arg11[%dma_start3A_100, %dma_start3A_101] : memref<10240x128xf32, #tpu.memory_space<vmem_shared>> -> memref<10240x128xf32, #tpu.memory_space<vmem_shared>>
        tpu.enqueue_indirect_dma source(%arg9 : memref<64x128xf32, #tpu.memory_space<vmem>>) target(%dma_start3A_102 : memref<10240x128xf32, #tpu.memory_space<vmem_shared>>) offsets(%dma_start3A_99 : memref<64xi32, #tpu.memory_space<vmem>>) semaphore(%run_scoped3A_96 : memref<!tpu.dma_semaphore, #tpu.memory_space<semaphore_mem>>) {add = true}
        %dma_wait3A_103 = arith.constant 0 : i32
        %dma_wait3A_104 = tpu.memref_slice %arg8[%add3A_63, %dma_wait3A_103] : memref<157x64xi32, #tpu.memory_space<vmem>> -> memref<1x64xi32, #tpu.memory_space<vmem>>
        %dma_wait3A_105 = tpu.memref_squeeze %dma_wait3A_104 : memref<1x64xi32, #tpu.memory_space<vmem>> -> memref<64xi32, #tpu.memory_space<vmem>>
        %dma_wait3A_106 = arith.constant 0 : i32
        %dma_wait3A_107 = arith.constant 0 : i32
        %dma_wait3A_108 = tpu.memref_slice %arg11[%dma_wait3A_106, %dma_wait3A_107] : memref<10240x128xf32, #tpu.memory_space<vmem_shared>> -> memref<10240x128xf32, #tpu.memory_space<vmem_shared>>
        tpu.wait_indirect_dma semaphore(%run_scoped3A_96 : memref<!tpu.dma_semaphore, #tpu.memory_space<semaphore_mem>>) src(%arg9 : memref<64x128xf32, #tpu.memory_space<vmem>>) dst(%dma_wait3A_108 : memref<10240x128xf32, #tpu.memory_space<vmem_shared>>)
        tpu.yield
      }) : () -> ()
      %add3A_70 = arith.constant 2 : i32
      %add3A_71 = arith.addi %add3A_63, %add3A_70 : i32
      %mul3A_72 = arith.constant 64 : i32
      %mul3A_73 = arith.muli %add3A_71, %mul3A_72 : i32
      %dma_start3A_74 = tpu.memref_slice %arg7[%mul3A_73] : memref<10048xi32, #tpu.memory_space<vmem>> -> memref<64xi32, #tpu.memory_space<vmem>>
      %dma_start3A_75 = arith.constant 0 : i32
      %dma_start3A_76 = arith.constant 0 : i32
      %dma_start3A_77 = tpu.memref_slice %arg2[%dma_start3A_75, %dma_start3A_76] : memref<30000x128xf32, #tpu.memory_space<hbm>> -> memref<30000x128xf32, #tpu.memory_space<hbm>>
      tpu.enqueue_indirect_dma source(%dma_start3A_77 : memref<30000x128xf32, #tpu.memory_space<hbm>>) target(%arg9 : memref<64x128xf32, #tpu.memory_space<vmem>>) offsets(%dma_start3A_74 : memref<64xi32, #tpu.memory_space<vmem>>) semaphore(%arg12 : memref<!tpu.dma_semaphore, #tpu.memory_space<semaphore_mem>>)
      %add3A_78 = arith.constant 1 : i32
      %add3A_79 = arith.addi %add3A_63, %add3A_78 : i32
      %mul3A_80 = arith.constant 64 : i32
      %mul3A_81 = arith.muli %add3A_79, %mul3A_80 : i32
      %dma_wait3A_82 = tpu.memref_slice %arg7[%mul3A_81] : memref<10048xi32, #tpu.memory_space<vmem>> -> memref<64xi32, #tpu.memory_space<vmem>>
      %dma_wait3A_83 = arith.constant 0 : i32
      %dma_wait3A_84 = arith.constant 0 : i32
      %dma_wait3A_85 = tpu.memref_slice %arg2[%dma_wait3A_83, %dma_wait3A_84] : memref<30000x128xf32, #tpu.memory_space<hbm>> -> memref<30000x128xf32, #tpu.memory_space<hbm>>
      tpu.wait_indirect_dma semaphore(%arg13 : memref<!tpu.dma_semaphore, #tpu.memory_space<semaphore_mem>>) src(%dma_wait3A_85 : memref<30000x128xf32, #tpu.memory_space<hbm>>) dst(%arg10 : memref<64x128xf32, #tpu.memory_space<vmem>>)
      %add3A_86 = arith.constant 1 : i32
      %add3A_87 = arith.addi %add3A_63, %add3A_86 : i32
      "tpu.region"() ({
        %run_scoped3A_96 = tpu.sem_alloc : memref<!tpu.dma_semaphore, #tpu.memory_space<semaphore_mem>>
        %dma_start3A_97 = arith.constant 0 : i32
        %dma_start3A_98 = tpu.memref_slice %arg8[%add3A_87, %dma_start3A_97] : memref<157x64xi32, #tpu.memory_space<vmem>> -> memref<1x64xi32, #tpu.memory_space<vmem>>
        %dma_start3A_99 = tpu.memref_squeeze %dma_start3A_98 : memref<1x64xi32, #tpu.memory_space<vmem>> -> memref<64xi32, #tpu.memory_space<vmem>>
        %dma_start3A_100 = arith.constant 0 : i32
        %dma_start3A_101 = arith.constant 0 : i32
        %dma_start3A_102 = tpu.memref_slice %arg11[%dma_start3A_100, %dma_start3A_101] : memref<10240x128xf32, #tpu.memory_space<vmem_shared>> -> memref<10240x128xf32, #tpu.memory_space<vmem_shared>>
        tpu.enqueue_indirect_dma source(%arg10 : memref<64x128xf32, #tpu.memory_space<vmem>>) target(%dma_start3A_102 : memref<10240x128xf32, #tpu.memory_space<vmem_shared>>) offsets(%dma_start3A_99 : memref<64xi32, #tpu.memory_space<vmem>>) semaphore(%run_scoped3A_96 : memref<!tpu.dma_semaphore, #tpu.memory_space<semaphore_mem>>) {add = true}
        %dma_wait3A_103 = arith.constant 0 : i32
        %dma_wait3A_104 = tpu.memref_slice %arg8[%add3A_87, %dma_wait3A_103] : memref<157x64xi32, #tpu.memory_space<vmem>> -> memref<1x64xi32, #tpu.memory_space<vmem>>
        %dma_wait3A_105 = tpu.memref_squeeze %dma_wait3A_104 : memref<1x64xi32, #tpu.memory_space<vmem>> -> memref<64xi32, #tpu.memory_space<vmem>>
        %dma_wait3A_106 = arith.constant 0 : i32
        %dma_wait3A_107 = arith.constant 0 : i32
        %dma_wait3A_108 = tpu.memref_slice %arg11[%dma_wait3A_106, %dma_wait3A_107] : memref<10240x128xf32, #tpu.memory_space<vmem_shared>> -> memref<10240x128xf32, #tpu.memory_space<vmem_shared>>
        tpu.wait_indirect_dma semaphore(%run_scoped3A_96 : memref<!tpu.dma_semaphore, #tpu.memory_space<semaphore_mem>>) src(%arg10 : memref<64x128xf32, #tpu.memory_space<vmem>>) dst(%dma_wait3A_108 : memref<10240x128xf32, #tpu.memory_space<vmem_shared>>)
        tpu.yield
      }) : () -> ()
      %add3A_88 = arith.constant 3 : i32
      %add3A_89 = arith.addi %add3A_63, %add3A_88 : i32
      %mul3A_90 = arith.constant 64 : i32
      %mul3A_91 = arith.muli %add3A_89, %mul3A_90 : i32
      %dma_start3A_92 = tpu.memref_slice %arg7[%mul3A_91] : memref<10048xi32, #tpu.memory_space<vmem>> -> memref<64xi32, #tpu.memory_space<vmem>>
      %dma_start3A_93 = arith.constant 0 : i32
      %dma_start3A_94 = arith.constant 0 : i32
      %dma_start3A_95 = tpu.memref_slice %arg2[%dma_start3A_93, %dma_start3A_94] : memref<30000x128xf32, #tpu.memory_space<hbm>> -> memref<30000x128xf32, #tpu.memory_space<hbm>>
      tpu.enqueue_indirect_dma source(%dma_start3A_95 : memref<30000x128xf32, #tpu.memory_space<hbm>>) target(%arg10 : memref<64x128xf32, #tpu.memory_space<vmem>>) offsets(%dma_start3A_92 : memref<64xi32, #tpu.memory_space<vmem>>) semaphore(%arg13 : memref<!tpu.dma_semaphore, #tpu.memory_space<semaphore_mem>>)
    }
    %scan3A_40 = arith.constant 77 : i32
    %dma_wait3A_41 = arith.constant 9856 : i32
    %dma_wait3A_42 = tpu.memref_slice %arg7[%dma_wait3A_41] : memref<10048xi32, #tpu.memory_space<vmem>> -> memref<64xi32, #tpu.memory_space<vmem>>
    %dma_wait3A_43 = arith.constant 0 : i32
    %dma_wait3A_44 = arith.constant 0 : i32
    %dma_wait3A_45 = tpu.memref_slice %arg2[%dma_wait3A_43, %dma_wait3A_44] : memref<30000x128xf32, #tpu.memory_space<hbm>> -> memref<30000x128xf32, #tpu.memory_space<hbm>>
    tpu.wait_indirect_dma semaphore(%arg12 : memref<!tpu.dma_semaphore, #tpu.memory_space<semaphore_mem>>) src(%dma_wait3A_45 : memref<30000x128xf32, #tpu.memory_space<hbm>>) dst(%arg9 : memref<64x128xf32, #tpu.memory_space<vmem>>)
    %run_scoped3A = arith.constant 154 : i32
    "tpu.region"() ({
      %run_scoped3A_59 = tpu.sem_alloc : memref<!tpu.dma_semaphore, #tpu.memory_space<semaphore_mem>>
      %dma_start3A_60 = arith.constant 0 : i32
      %dma_start3A_61 = tpu.memref_slice %arg8[%run_scoped3A, %dma_start3A_60] : memref<157x64xi32, #tpu.memory_space<vmem>> -> memref<1x64xi32, #tpu.memory_space<vmem>>
      %dma_start3A_62 = tpu.memref_squeeze %dma_start3A_61 : memref<1x64xi32, #tpu.memory_space<vmem>> -> memref<64xi32, #tpu.memory_space<vmem>>
      %dma_start3A_63 = arith.constant 0 : i32
      %dma_start3A_64 = arith.constant 0 : i32
      %dma_start3A_65 = tpu.memref_slice %arg11[%dma_start3A_63, %dma_start3A_64] : memref<10240x128xf32, #tpu.memory_space<vmem_shared>> -> memref<10240x128xf32, #tpu.memory_space<vmem_shared>>
      tpu.enqueue_indirect_dma source(%arg9 : memref<64x128xf32, #tpu.memory_space<vmem>>) target(%dma_start3A_65 : memref<10240x128xf32, #tpu.memory_space<vmem_shared>>) offsets(%dma_start3A_62 : memref<64xi32, #tpu.memory_space<vmem>>) semaphore(%run_scoped3A_59 : memref<!tpu.dma_semaphore, #tpu.memory_space<semaphore_mem>>) {add = true}
      %dma_wait3A_66 = arith.constant 0 : i32
      %dma_wait3A_67 = tpu.memref_slice %arg8[%run_scoped3A, %dma_wait3A_66] : memref<157x64xi32, #tpu.memory_space<vmem>> -> memref<1x64xi32, #tpu.memory_space<vmem>>
      %dma_wait3A_68 = tpu.memref_squeeze %dma_wait3A_67 : memref<1x64xi32, #tpu.memory_space<vmem>> -> memref<64xi32, #tpu.memory_space<vmem>>
      %dma_wait3A_69 = arith.constant 0 : i32
      %dma_wait3A_70 = arith.constant 0 : i32
      %dma_wait3A_71 = tpu.memref_slice %arg11[%dma_wait3A_69, %dma_wait3A_70] : memref<10240x128xf32, #tpu.memory_space<vmem_shared>> -> memref<10240x128xf32, #tpu.memory_space<vmem_shared>>
      tpu.wait_indirect_dma semaphore(%run_scoped3A_59 : memref<!tpu.dma_semaphore, #tpu.memory_space<semaphore_mem>>) src(%arg9 : memref<64x128xf32, #tpu.memory_space<vmem>>) dst(%dma_wait3A_71 : memref<10240x128xf32, #tpu.memory_space<vmem_shared>>)
      tpu.yield
    }) : () -> ()
    %dma_wait3A_46 = arith.constant 9920 : i32
    %dma_wait3A_47 = tpu.memref_slice %arg7[%dma_wait3A_46] : memref<10048xi32, #tpu.memory_space<vmem>> -> memref<64xi32, #tpu.memory_space<vmem>>
    %dma_wait3A_48 = arith.constant 0 : i32
    %dma_wait3A_49 = arith.constant 0 : i32
    %dma_wait3A_50 = tpu.memref_slice %arg2[%dma_wait3A_48, %dma_wait3A_49] : memref<30000x128xf32, #tpu.memory_space<hbm>> -> memref<30000x128xf32, #tpu.memory_space<hbm>>
    tpu.wait_indirect_dma semaphore(%arg13 : memref<!tpu.dma_semaphore, #tpu.memory_space<semaphore_mem>>) src(%dma_wait3A_50 : memref<30000x128xf32, #tpu.memory_space<hbm>>) dst(%arg10 : memref<64x128xf32, #tpu.memory_space<vmem>>)
    %run_scoped3A_51 = arith.constant 155 : i32
    "tpu.region"() ({
      %run_scoped3A_59 = tpu.sem_alloc : memref<!tpu.dma_semaphore, #tpu.memory_space<semaphore_mem>>
      %dma_start3A_60 = arith.constant 0 : i32
      %dma_start3A_61 = tpu.memref_slice %arg8[%run_scoped3A_51, %dma_start3A_60] : memref<157x64xi32, #tpu.memory_space<vmem>> -> memref<1x64xi32, #tpu.memory_space<vmem>>
      %dma_start3A_62 = tpu.memref_squeeze %dma_start3A_61 : memref<1x64xi32, #tpu.memory_space<vmem>> -> memref<64xi32, #tpu.memory_space<vmem>>
      %dma_start3A_63 = arith.constant 0 : i32
      %dma_start3A_64 = arith.constant 0 : i32
      %dma_start3A_65 = tpu.memref_slice %arg11[%dma_start3A_63, %dma_start3A_64] : memref<10240x128xf32, #tpu.memory_space<vmem_shared>> -> memref<10240x128xf32, #tpu.memory_space<vmem_shared>>
      tpu.enqueue_indirect_dma source(%arg10 : memref<64x128xf32, #tpu.memory_space<vmem>>) target(%dma_start3A_65 : memref<10240x128xf32, #tpu.memory_space<vmem_shared>>) offsets(%dma_start3A_62 : memref<64xi32, #tpu.memory_space<vmem>>) semaphore(%run_scoped3A_59 : memref<!tpu.dma_semaphore, #tpu.memory_space<semaphore_mem>>) {add = true}
      %dma_wait3A_66 = arith.constant 0 : i32
      %dma_wait3A_67 = tpu.memref_slice %arg8[%run_scoped3A_51, %dma_wait3A_66] : memref<157x64xi32, #tpu.memory_space<vmem>> -> memref<1x64xi32, #tpu.memory_space<vmem>>
      %dma_wait3A_68 = tpu.memref_squeeze %dma_wait3A_67 : memref<1x64xi32, #tpu.memory_space<vmem>> -> memref<64xi32, #tpu.memory_space<vmem>>
      %dma_wait3A_69 = arith.constant 0 : i32
      %dma_wait3A_70 = arith.constant 0 : i32
      %dma_wait3A_71 = tpu.memref_slice %arg11[%dma_wait3A_69, %dma_wait3A_70] : memref<10240x128xf32, #tpu.memory_space<vmem_shared>> -> memref<10240x128xf32, #tpu.memory_space<vmem_shared>>
      tpu.wait_indirect_dma semaphore(%run_scoped3A_59 : memref<!tpu.dma_semaphore, #tpu.memory_space<semaphore_mem>>) src(%arg10 : memref<64x128xf32, #tpu.memory_space<vmem>>) dst(%dma_wait3A_71 : memref<10240x128xf32, #tpu.memory_space<vmem_shared>>)
      tpu.yield
    }) : () -> ()
    %lt3A = arith.constant 8 : i32
    %lt3A_52 = arith.cmpi slt, %add3A, %lt3A : i32
    %convert_element_type3A = arith.extui %lt3A_52 : i1 to i32
    %cond3A = arith.constant 0 : i32
    %cond3A_53 = arith.cmpi ne, %convert_element_type3A, %cond3A : i32
    scf.if %cond3A_53 {
      "tpu.region"() ({
        %run_scoped3A_60 = tpu.sem_alloc : memref<!tpu.dma_semaphore, #tpu.memory_space<semaphore_mem>>
        %dma_start3A_61 = arith.constant 9984 : i32
        %dma_start3A_62 = tpu.memref_slice %arg7[%dma_start3A_61] : memref<10048xi32, #tpu.memory_space<vmem>> -> memref<64xi32, #tpu.memory_space<vmem>>
        %dma_start3A_63 = arith.constant 0 : i32
        %dma_start3A_64 = arith.constant 0 : i32
        %dma_start3A_65 = tpu.memref_slice %arg2[%dma_start3A_63, %dma_start3A_64] : memref<30000x128xf32, #tpu.memory_space<hbm>> -> memref<30000x128xf32, #tpu.memory_space<hbm>>
        tpu.enqueue_indirect_dma source(%dma_start3A_65 : memref<30000x128xf32, #tpu.memory_space<hbm>>) target(%arg9 : memref<64x128xf32, #tpu.memory_space<vmem>>) offsets(%dma_start3A_62 : memref<64xi32, #tpu.memory_space<vmem>>) semaphore(%run_scoped3A_60 : memref<!tpu.dma_semaphore, #tpu.memory_space<semaphore_mem>>)
        %dma_wait3A_66 = arith.constant 9984 : i32
        %dma_wait3A_67 = tpu.memref_slice %arg7[%dma_wait3A_66] : memref<10048xi32, #tpu.memory_space<vmem>> -> memref<64xi32, #tpu.memory_space<vmem>>
        %dma_wait3A_68 = arith.constant 0 : i32
        %dma_wait3A_69 = arith.constant 0 : i32
        %dma_wait3A_70 = tpu.memref_slice %arg2[%dma_wait3A_68, %dma_wait3A_69] : memref<30000x128xf32, #tpu.memory_space<hbm>> -> memref<30000x128xf32, #tpu.memory_space<hbm>>
        tpu.wait_indirect_dma semaphore(%run_scoped3A_60 : memref<!tpu.dma_semaphore, #tpu.memory_space<semaphore_mem>>) src(%dma_wait3A_70 : memref<30000x128xf32, #tpu.memory_space<hbm>>) dst(%arg9 : memref<64x128xf32, #tpu.memory_space<vmem>>)
        tpu.yield
      }) : () -> ()
      %run_scoped3A_59 = arith.constant 156 : i32
      "tpu.region"() ({
        %run_scoped3A_60 = tpu.sem_alloc : memref<!tpu.dma_semaphore, #tpu.memory_space<semaphore_mem>>
        %dma_start3A_61 = arith.constant 0 : i32
        %dma_start3A_62 = tpu.memref_slice %arg8[%run_scoped3A_59, %dma_start3A_61] : memref<157x64xi32, #tpu.memory_space<vmem>> -> memref<1x64xi32, #tpu.memory_space<vmem>>
        %dma_start3A_63 = tpu.memref_squeeze %dma_start3A_62 : memref<1x64xi32, #tpu.memory_space<vmem>> -> memref<64xi32, #tpu.memory_space<vmem>>
        %dma_start3A_64 = arith.constant 0 : i32
        %dma_start3A_65 = arith.constant 0 : i32
        %dma_start3A_66 = tpu.memref_slice %arg11[%dma_start3A_64, %dma_start3A_65] : memref<10240x128xf32, #tpu.memory_space<vmem_shared>> -> memref<10240x128xf32, #tpu.memory_space<vmem_shared>>
        tpu.enqueue_indirect_dma source(%arg9 : memref<64x128xf32, #tpu.memory_space<vmem>>) target(%dma_start3A_66 : memref<10240x128xf32, #tpu.memory_space<vmem_shared>>) offsets(%dma_start3A_63 : memref<64xi32, #tpu.memory_space<vmem>>) semaphore(%run_scoped3A_60 : memref<!tpu.dma_semaphore, #tpu.memory_space<semaphore_mem>>) {add = true}
        %dma_wait3A_67 = arith.constant 0 : i32
        %dma_wait3A_68 = tpu.memref_slice %arg8[%run_scoped3A_59, %dma_wait3A_67] : memref<157x64xi32, #tpu.memory_space<vmem>> -> memref<1x64xi32, #tpu.memory_space<vmem>>
        %dma_wait3A_69 = tpu.memref_squeeze %dma_wait3A_68 : memref<1x64xi32, #tpu.memory_space<vmem>> -> memref<64xi32, #tpu.memory_space<vmem>>
        %dma_wait3A_70 = arith.constant 0 : i32
        %dma_wait3A_71 = arith.constant 0 : i32
        %dma_wait3A_72 = tpu.memref_slice %arg11[%dma_wait3A_70, %dma_wait3A_71] : memref<10240x128xf32, #tpu.memory_space<vmem_shared>> -> memref<10240x128xf32, #tpu.memory_space<vmem_shared>>
        tpu.wait_indirect_dma semaphore(%run_scoped3A_60 : memref<!tpu.dma_semaphore, #tpu.memory_space<semaphore_mem>>) src(%arg9 : memref<64x128xf32, #tpu.memory_space<vmem>>) dst(%dma_wait3A_72 : memref<10240x128xf32, #tpu.memory_space<vmem_shared>>)
        tpu.yield
      }) : () -> ()
    } else {
    }
    %barrier3A_54 = arith.constant 0 : index
    tpu.barrier barrier_id(%barrier3A_54)
    %mul3A_55 = arith.constant 640 : i32
    %mul3A_56 = arith.muli %arg1, %mul3A_55 : i32
    %mul3A_57 = arith.constant 640 : i32
    %mul3A_58 = arith.muli %arg1, %mul3A_57 : i32
    "tpu.region"() ({
      %run_scoped3A_59 = tpu.sem_alloc : memref<!tpu.dma_semaphore, #tpu.memory_space<semaphore_mem>>
      %dma_start3A_60 = arith.constant 0 : i32
      %dma_start3A_61 = tpu.memref_slice %arg6[%arg0, %mul3A_58, %dma_start3A_60] : memref<2x10240x128xf32, #tpu.memory_space<hbm>> -> memref<1x640x128xf32, #tpu.memory_space<hbm>>
      %dma_start3A_62 = tpu.memref_squeeze %dma_start3A_61 : memref<1x640x128xf32, #tpu.memory_space<hbm>> -> memref<640x128xf32, #tpu.memory_space<hbm>>
      %dma_start3A_63 = arith.constant 0 : i32
      %dma_start3A_64 = tpu.memref_slice %arg11[%mul3A_56, %dma_start3A_63] : memref<10240x128xf32, #tpu.memory_space<vmem_shared>> -> memref<640x128xf32, #tpu.memory_space<vmem_shared>>
      tpu.enqueue_dma source(%dma_start3A_64 : memref<640x128xf32, #tpu.memory_space<vmem_shared>>) target(%dma_start3A_62 : memref<640x128xf32, #tpu.memory_space<hbm>>) target_semaphore(%run_scoped3A_59 : memref<!tpu.dma_semaphore, #tpu.memory_space<semaphore_mem>>)
      %dma_wait3A_65 = arith.constant 0 : i32
      %dma_wait3A_66 = tpu.memref_slice %arg6[%arg0, %mul3A_58, %dma_wait3A_65] : memref<2x10240x128xf32, #tpu.memory_space<hbm>> -> memref<1x640x128xf32, #tpu.memory_space<hbm>>
      %dma_wait3A_67 = tpu.memref_squeeze %dma_wait3A_66 : memref<1x640x128xf32, #tpu.memory_space<hbm>> -> memref<640x128xf32, #tpu.memory_space<hbm>>
      %dma_wait3A_68 = arith.constant 0 : i32
      %dma_wait3A_69 = tpu.memref_slice %arg11[%mul3A_56, %dma_wait3A_68] : memref<10240x128xf32, #tpu.memory_space<vmem_shared>> -> memref<640x128xf32, #tpu.memory_space<vmem_shared>>
      tpu.wait_dma2 semaphore(%run_scoped3A_59 : memref<!tpu.dma_semaphore, #tpu.memory_space<semaphore_mem>>) src(%dma_wait3A_69 : memref<640x128xf32, #tpu.memory_space<vmem_shared>>) dst(%dma_wait3A_67 : memref<640x128xf32, #tpu.memory_space<hbm>>)
      tpu.yield
    }) : () -> ()
    return
  }
}

#map = affine_map<(d0, d1) -> (0, 0)>
#map1 = affine_map<(d0, d1) -> (0)>
#map2 = affine_map<(d0, d1) -> (0, 0, 0)>
module attributes {stable_mosaic.version = 14 : i64} {
  func.func @_sc_body(%arg0: i32, %arg1: i32, %arg2: memref<30000x128xf32, #tpu.memory_space<hbm>>, %arg3: memref<321536xi32, #tpu.memory_space<hbm>>, %arg4: memref<32x157x64xi32, #tpu.memory_space<hbm>>, %arg5: memref<640x128xf32, #tpu.memory_space<hbm>>, %arg6: memref<2x10240x128xf32, #tpu.memory_space<hbm>>, %arg7: memref<10048xi32, #tpu.memory_space<vmem>>, %arg8: memref<157x64xi32, #tpu.memory_space<vmem>>, %arg9: memref<64x128xf32, #tpu.memory_space<vmem>>, %arg10: memref<64x128xf32, #tpu.memory_space<vmem>>, %arg11: memref<10240x128xf32, #tpu.memory_space<vmem_shared>>, %arg12: memref<!tpu.dma_semaphore, #tpu.memory_space<semaphore_mem>>, %arg13: memref<!tpu.dma_semaphore, #tpu.memory_space<semaphore_mem>>, %arg14: memref<!tpu.dma_semaphore, #tpu.memory_space<semaphore_mem>>) attributes {dimension_semantics = [#tpu.dimension_semantics<core_parallel>, #tpu.dimension_semantics<subcore_parallel>], iteration_bounds = array<i64: 2, 16>, scalar_prefetch = 0 : i64, scratch_operands = 8 : i64, tpu.core_type = #tpu.core_type<sc_vector_subcore>, window_params = [{transform_indices = #map}, {transform_indices = #map1}, {transform_indices = #map2}, {transform_indices = #map}, {transform_indices = #map2}]} {
    %mul3A = arith.constant 2 : i32
    %mul3A_0 = arith.muli %arg1, %mul3A : i32
    %add3A = arith.addi %mul3A_0, %arg0 : i32
    %mul3A_1 = arith.constant 640 : i32
    %mul3A_2 = arith.muli %arg1, %mul3A_1 : i32
    %mul3A_3 = arith.constant 10048 : i32
    %mul3A_4 = arith.muli %add3A, %mul3A_3 : i32
    %dma_start3A = arith.constant 0 : i32
    %dma_start3A_5 = tpu.memref_slice %arg11[%mul3A_2, %dma_start3A] : memref<10240x128xf32, #tpu.memory_space<vmem_shared>> -> memref<640x128xf32, #tpu.memory_space<vmem_shared>>
    tpu.enqueue_dma source(%arg5 : memref<640x128xf32, #tpu.memory_space<hbm>>) target(%dma_start3A_5 : memref<640x128xf32, #tpu.memory_space<vmem_shared>>) target_semaphore(%arg14 : memref<!tpu.dma_semaphore, #tpu.memory_space<semaphore_mem>>)
    %dma_start3A_6 = tpu.memref_slice %arg3[%mul3A_4] : memref<321536xi32, #tpu.memory_space<hbm>> -> memref<10048xi32, #tpu.memory_space<hbm>>
    %dma_start3A_7 = tpu.memref_slice %arg3[%mul3A_4] : memref<321536xi32, #tpu.memory_space<hbm>> -> memref<10048xi32, #tpu.memory_space<hbm>>
    tpu.enqueue_dma source(%dma_start3A_7 : memref<10048xi32, #tpu.memory_space<hbm>>) target(%arg7 : memref<10048xi32, #tpu.memory_space<vmem>>) target_semaphore(%arg14 : memref<!tpu.dma_semaphore, #tpu.memory_space<semaphore_mem>>)
    %dma_start3A_8 = arith.constant 0 : i32
    %dma_start3A_9 = arith.constant 0 : i32
    %dma_start3A_10 = tpu.memref_slice %arg4[%add3A, %dma_start3A_8, %dma_start3A_9] : memref<32x157x64xi32, #tpu.memory_space<hbm>> -> memref<1x157x64xi32, #tpu.memory_space<hbm>>
    %dma_start3A_11 = tpu.memref_squeeze %dma_start3A_10 : memref<1x157x64xi32, #tpu.memory_space<hbm>> -> memref<157x64xi32, #tpu.memory_space<hbm>>
    %dma_start3A_12 = arith.constant 0 : i32
    %dma_start3A_13 = arith.constant 0 : i32
    %dma_start3A_14 = tpu.memref_slice %arg4[%add3A, %dma_start3A_12, %dma_start3A_13] : memref<32x157x64xi32, #tpu.memory_space<hbm>> -> memref<1x157x64xi32, #tpu.memory_space<hbm>>
    %dma_start3A_15 = tpu.memref_squeeze %dma_start3A_14 : memref<1x157x64xi32, #tpu.memory_space<hbm>> -> memref<157x64xi32, #tpu.memory_space<hbm>>
    tpu.enqueue_dma source(%dma_start3A_15 : memref<157x64xi32, #tpu.memory_space<hbm>>) target(%arg8 : memref<157x64xi32, #tpu.memory_space<vmem>>) target_semaphore(%arg14 : memref<!tpu.dma_semaphore, #tpu.memory_space<semaphore_mem>>)
    %dma_wait3A = arith.constant 0 : i32
    %dma_wait3A_16 = tpu.memref_slice %arg11[%mul3A_2, %dma_wait3A] : memref<10240x128xf32, #tpu.memory_space<vmem_shared>> -> memref<640x128xf32, #tpu.memory_space<vmem_shared>>
    tpu.wait_dma2 semaphore(%arg14 : memref<!tpu.dma_semaphore, #tpu.memory_space<semaphore_mem>>) src(%arg5 : memref<640x128xf32, #tpu.memory_space<hbm>>) dst(%dma_wait3A_16 : memref<640x128xf32, #tpu.memory_space<vmem_shared>>)
    %dma_wait3A_17 = tpu.memref_slice %arg3[%mul3A_4] : memref<321536xi32, #tpu.memory_space<hbm>> -> memref<10048xi32, #tpu.memory_space<hbm>>
    %dma_wait3A_18 = tpu.memref_slice %arg3[%mul3A_4] : memref<321536xi32, #tpu.memory_space<hbm>> -> memref<10048xi32, #tpu.memory_space<hbm>>
    tpu.wait_dma2 semaphore(%arg14 : memref<!tpu.dma_semaphore, #tpu.memory_space<semaphore_mem>>) src(%dma_wait3A_18 : memref<10048xi32, #tpu.memory_space<hbm>>) dst(%arg7 : memref<10048xi32, #tpu.memory_space<vmem>>)
    %dma_wait3A_19 = arith.constant 0 : i32
    %dma_wait3A_20 = arith.constant 0 : i32
    %dma_wait3A_21 = tpu.memref_slice %arg4[%add3A, %dma_wait3A_19, %dma_wait3A_20] : memref<32x157x64xi32, #tpu.memory_space<hbm>> -> memref<1x157x64xi32, #tpu.memory_space<hbm>>
    %dma_wait3A_22 = tpu.memref_squeeze %dma_wait3A_21 : memref<1x157x64xi32, #tpu.memory_space<hbm>> -> memref<157x64xi32, #tpu.memory_space<hbm>>
    %dma_wait3A_23 = arith.constant 0 : i32
    %dma_wait3A_24 = arith.constant 0 : i32
    %dma_wait3A_25 = tpu.memref_slice %arg4[%add3A, %dma_wait3A_23, %dma_wait3A_24] : memref<32x157x64xi32, #tpu.memory_space<hbm>> -> memref<1x157x64xi32, #tpu.memory_space<hbm>>
    %dma_wait3A_26 = tpu.memref_squeeze %dma_wait3A_25 : memref<1x157x64xi32, #tpu.memory_space<hbm>> -> memref<157x64xi32, #tpu.memory_space<hbm>>
    tpu.wait_dma2 semaphore(%arg14 : memref<!tpu.dma_semaphore, #tpu.memory_space<semaphore_mem>>) src(%dma_wait3A_26 : memref<157x64xi32, #tpu.memory_space<hbm>>) dst(%arg8 : memref<157x64xi32, #tpu.memory_space<vmem>>)
    %barrier3A = arith.constant 0 : index
    tpu.barrier barrier_id(%barrier3A)
    %dma_start3A_27 = arith.constant 0 : i32
    %dma_start3A_28 = tpu.memref_slice %arg7[%dma_start3A_27] : memref<10048xi32, #tpu.memory_space<vmem>> -> memref<64xi32, #tpu.memory_space<vmem>>
    %dma_start3A_29 = arith.constant 0 : i32
    %dma_start3A_30 = arith.constant 0 : i32
    %dma_start3A_31 = tpu.memref_slice %arg2[%dma_start3A_29, %dma_start3A_30] : memref<30000x128xf32, #tpu.memory_space<hbm>> -> memref<30000x128xf32, #tpu.memory_space<hbm>>
    tpu.enqueue_indirect_dma source(%dma_start3A_31 : memref<30000x128xf32, #tpu.memory_space<hbm>>) target(%arg9 : memref<64x128xf32, #tpu.memory_space<vmem>>) offsets(%dma_start3A_28 : memref<64xi32, #tpu.memory_space<vmem>>) semaphore(%arg12 : memref<!tpu.dma_semaphore, #tpu.memory_space<semaphore_mem>>)
    %dma_start3A_32 = arith.constant 64 : i32
    %dma_start3A_33 = tpu.memref_slice %arg7[%dma_start3A_32] : memref<10048xi32, #tpu.memory_space<vmem>> -> memref<64xi32, #tpu.memory_space<vmem>>
    %dma_start3A_34 = arith.constant 0 : i32
    %dma_start3A_35 = arith.constant 0 : i32
    %dma_start3A_36 = tpu.memref_slice %arg2[%dma_start3A_34, %dma_start3A_35] : memref<30000x128xf32, #tpu.memory_space<hbm>> -> memref<30000x128xf32, #tpu.memory_space<hbm>>
    tpu.enqueue_indirect_dma source(%dma_start3A_36 : memref<30000x128xf32, #tpu.memory_space<hbm>>) target(%arg10 : memref<64x128xf32, #tpu.memory_space<vmem>>) offsets(%dma_start3A_33 : memref<64xi32, #tpu.memory_space<vmem>>) semaphore(%arg13 : memref<!tpu.dma_semaphore, #tpu.memory_space<semaphore_mem>>)
    %scan3A = arith.constant 0 : i32
    %scan3A_37 = arith.constant 77 : i32
    %scan3A_38 = arith.addi %scan3A, %scan3A_37 : i32
    %scan3A_39 = arith.constant 1 : i32
    scf.for %scan3A_59 = %scan3A to %scan3A_38 step %scan3A_39  : i32 {
      %mul3A_60 = arith.constant 2 : i32
      %mul3A_61 = arith.muli %scan3A_59, %mul3A_60 : i32
      %add3A_62 = arith.constant 0 : i32
      %add3A_63 = arith.addi %add3A_62, %mul3A_61 : i32
      %mul3A_64 = arith.constant 64 : i32
      %mul3A_65 = arith.muli %add3A_63, %mul3A_64 : i32
      %dma_wait3A_66 = tpu.memref_slice %arg7[%mul3A_65] : memref<10048xi32, #tpu.memory_space<vmem>> -> memref<64xi32, #tpu.memory_space<vmem>>
      %dma_wait3A_67 = arith.constant 0 : i32
      %dma_wait3A_68 = arith.constant 0 : i32
      %dma_wait3A_69 = tpu.memref_slice %arg2[%dma_wait3A_67, %dma_wait3A_68] : memref<30000x128xf32, #tpu.memory_space<hbm>> -> memref<30000x128xf32, #tpu.memory_space<hbm>>
      tpu.wait_indirect_dma semaphore(%arg12 : memref<!tpu.dma_semaphore, #tpu.memory_space<semaphore_mem>>) src(%dma_wait3A_69 : memref<30000x128xf32, #tpu.memory_space<hbm>>) dst(%arg9 : memref<64x128xf32, #tpu.memory_space<vmem>>)
      "tpu.region"() ({
        %run_scoped3A_96 = tpu.sem_alloc : memref<!tpu.dma_semaphore, #tpu.memory_space<semaphore_mem>>
        %dma_start3A_97 = arith.constant 0 : i32
        %dma_start3A_98 = tpu.memref_slice %arg8[%add3A_63, %dma_start3A_97] : memref<157x64xi32, #tpu.memory_space<vmem>> -> memref<1x64xi32, #tpu.memory_space<vmem>>
        %dma_start3A_99 = tpu.memref_squeeze %dma_start3A_98 : memref<1x64xi32, #tpu.memory_space<vmem>> -> memref<64xi32, #tpu.memory_space<vmem>>
        %dma_start3A_100 = arith.constant 0 : i32
        %dma_start3A_101 = arith.constant 0 : i32
        %dma_start3A_102 = tpu.memref_slice %arg11[%dma_start3A_100, %dma_start3A_101] : memref<10240x128xf32, #tpu.memory_space<vmem_shared>> -> memref<10240x128xf32, #tpu.memory_space<vmem_shared>>
        tpu.enqueue_indirect_dma source(%arg9 : memref<64x128xf32, #tpu.memory_space<vmem>>) target(%dma_start3A_102 : memref<10240x128xf32, #tpu.memory_space<vmem_shared>>) offsets(%dma_start3A_99 : memref<64xi32, #tpu.memory_space<vmem>>) semaphore(%run_scoped3A_96 : memref<!tpu.dma_semaphore, #tpu.memory_space<semaphore_mem>>) {add = true}
        %dma_wait3A_103 = arith.constant 0 : i32
        %dma_wait3A_104 = tpu.memref_slice %arg8[%add3A_63, %dma_wait3A_103] : memref<157x64xi32, #tpu.memory_space<vmem>> -> memref<1x64xi32, #tpu.memory_space<vmem>>
        %dma_wait3A_105 = tpu.memref_squeeze %dma_wait3A_104 : memref<1x64xi32, #tpu.memory_space<vmem>> -> memref<64xi32, #tpu.memory_space<vmem>>
        %dma_wait3A_106 = arith.constant 0 : i32
        %dma_wait3A_107 = arith.constant 0 : i32
        %dma_wait3A_108 = tpu.memref_slice %arg11[%dma_wait3A_106, %dma_wait3A_107] : memref<10240x128xf32, #tpu.memory_space<vmem_shared>> -> memref<10240x128xf32, #tpu.memory_space<vmem_shared>>
        tpu.wait_indirect_dma semaphore(%run_scoped3A_96 : memref<!tpu.dma_semaphore, #tpu.memory_space<semaphore_mem>>) src(%arg9 : memref<64x128xf32, #tpu.memory_space<vmem>>) dst(%dma_wait3A_108 : memref<10240x128xf32, #tpu.memory_space<vmem_shared>>)
        tpu.yield
      }) : () -> ()
      %add3A_70 = arith.constant 2 : i32
      %add3A_71 = arith.addi %add3A_63, %add3A_70 : i32
      %mul3A_72 = arith.constant 64 : i32
      %mul3A_73 = arith.muli %add3A_71, %mul3A_72 : i32
      %dma_start3A_74 = tpu.memref_slice %arg7[%mul3A_73] : memref<10048xi32, #tpu.memory_space<vmem>> -> memref<64xi32, #tpu.memory_space<vmem>>
      %dma_start3A_75 = arith.constant 0 : i32
      %dma_start3A_76 = arith.constant 0 : i32
      %dma_start3A_77 = tpu.memref_slice %arg2[%dma_start3A_75, %dma_start3A_76] : memref<30000x128xf32, #tpu.memory_space<hbm>> -> memref<30000x128xf32, #tpu.memory_space<hbm>>
      tpu.enqueue_indirect_dma source(%dma_start3A_77 : memref<30000x128xf32, #tpu.memory_space<hbm>>) target(%arg9 : memref<64x128xf32, #tpu.memory_space<vmem>>) offsets(%dma_start3A_74 : memref<64xi32, #tpu.memory_space<vmem>>) semaphore(%arg12 : memref<!tpu.dma_semaphore, #tpu.memory_space<semaphore_mem>>)
      %add3A_78 = arith.constant 1 : i32
      %add3A_79 = arith.addi %add3A_63, %add3A_78 : i32
      %mul3A_80 = arith.constant 64 : i32
      %mul3A_81 = arith.muli %add3A_79, %mul3A_80 : i32
      %dma_wait3A_82 = tpu.memref_slice %arg7[%mul3A_81] : memref<10048xi32, #tpu.memory_space<vmem>> -> memref<64xi32, #tpu.memory_space<vmem>>
      %dma_wait3A_83 = arith.constant 0 : i32
      %dma_wait3A_84 = arith.constant 0 : i32
      %dma_wait3A_85 = tpu.memref_slice %arg2[%dma_wait3A_83, %dma_wait3A_84] : memref<30000x128xf32, #tpu.memory_space<hbm>> -> memref<30000x128xf32, #tpu.memory_space<hbm>>
      tpu.wait_indirect_dma semaphore(%arg13 : memref<!tpu.dma_semaphore, #tpu.memory_space<semaphore_mem>>) src(%dma_wait3A_85 : memref<30000x128xf32, #tpu.memory_space<hbm>>) dst(%arg10 : memref<64x128xf32, #tpu.memory_space<vmem>>)
      %add3A_86 = arith.constant 1 : i32
      %add3A_87 = arith.addi %add3A_63, %add3A_86 : i32
      "tpu.region"() ({
        %run_scoped3A_96 = tpu.sem_alloc : memref<!tpu.dma_semaphore, #tpu.memory_space<semaphore_mem>>
        %dma_start3A_97 = arith.constant 0 : i32
        %dma_start3A_98 = tpu.memref_slice %arg8[%add3A_87, %dma_start3A_97] : memref<157x64xi32, #tpu.memory_space<vmem>> -> memref<1x64xi32, #tpu.memory_space<vmem>>
        %dma_start3A_99 = tpu.memref_squeeze %dma_start3A_98 : memref<1x64xi32, #tpu.memory_space<vmem>> -> memref<64xi32, #tpu.memory_space<vmem>>
        %dma_start3A_100 = arith.constant 0 : i32
        %dma_start3A_101 = arith.constant 0 : i32
        %dma_start3A_102 = tpu.memref_slice %arg11[%dma_start3A_100, %dma_start3A_101] : memref<10240x128xf32, #tpu.memory_space<vmem_shared>> -> memref<10240x128xf32, #tpu.memory_space<vmem_shared>>
        tpu.enqueue_indirect_dma source(%arg10 : memref<64x128xf32, #tpu.memory_space<vmem>>) target(%dma_start3A_102 : memref<10240x128xf32, #tpu.memory_space<vmem_shared>>) offsets(%dma_start3A_99 : memref<64xi32, #tpu.memory_space<vmem>>) semaphore(%run_scoped3A_96 : memref<!tpu.dma_semaphore, #tpu.memory_space<semaphore_mem>>) {add = true}
        %dma_wait3A_103 = arith.constant 0 : i32
        %dma_wait3A_104 = tpu.memref_slice %arg8[%add3A_87, %dma_wait3A_103] : memref<157x64xi32, #tpu.memory_space<vmem>> -> memref<1x64xi32, #tpu.memory_space<vmem>>
        %dma_wait3A_105 = tpu.memref_squeeze %dma_wait3A_104 : memref<1x64xi32, #tpu.memory_space<vmem>> -> memref<64xi32, #tpu.memory_space<vmem>>
        %dma_wait3A_106 = arith.constant 0 : i32
        %dma_wait3A_107 = arith.constant 0 : i32
        %dma_wait3A_108 = tpu.memref_slice %arg11[%dma_wait3A_106, %dma_wait3A_107] : memref<10240x128xf32, #tpu.memory_space<vmem_shared>> -> memref<10240x128xf32, #tpu.memory_space<vmem_shared>>
        tpu.wait_indirect_dma semaphore(%run_scoped3A_96 : memref<!tpu.dma_semaphore, #tpu.memory_space<semaphore_mem>>) src(%arg10 : memref<64x128xf32, #tpu.memory_space<vmem>>) dst(%dma_wait3A_108 : memref<10240x128xf32, #tpu.memory_space<vmem_shared>>)
        tpu.yield
      }) : () -> ()
      %add3A_88 = arith.constant 3 : i32
      %add3A_89 = arith.addi %add3A_63, %add3A_88 : i32
      %mul3A_90 = arith.constant 64 : i32
      %mul3A_91 = arith.muli %add3A_89, %mul3A_90 : i32
      %dma_start3A_92 = tpu.memref_slice %arg7[%mul3A_91] : memref<10048xi32, #tpu.memory_space<vmem>> -> memref<64xi32, #tpu.memory_space<vmem>>
      %dma_start3A_93 = arith.constant 0 : i32
      %dma_start3A_94 = arith.constant 0 : i32
      %dma_start3A_95 = tpu.memref_slice %arg2[%dma_start3A_93, %dma_start3A_94] : memref<30000x128xf32, #tpu.memory_space<hbm>> -> memref<30000x128xf32, #tpu.memory_space<hbm>>
      tpu.enqueue_indirect_dma source(%dma_start3A_95 : memref<30000x128xf32, #tpu.memory_space<hbm>>) target(%arg10 : memref<64x128xf32, #tpu.memory_space<vmem>>) offsets(%dma_start3A_92 : memref<64xi32, #tpu.memory_space<vmem>>) semaphore(%arg13 : memref<!tpu.dma_semaphore, #tpu.memory_space<semaphore_mem>>)
    }
    %scan3A_40 = arith.constant 77 : i32
    %dma_wait3A_41 = arith.constant 9856 : i32
    %dma_wait3A_42 = tpu.memref_slice %arg7[%dma_wait3A_41] : memref<10048xi32, #tpu.memory_space<vmem>> -> memref<64xi32, #tpu.memory_space<vmem>>
    %dma_wait3A_43 = arith.constant 0 : i32
    %dma_wait3A_44 = arith.constant 0 : i32
    %dma_wait3A_45 = tpu.memref_slice %arg2[%dma_wait3A_43, %dma_wait3A_44] : memref<30000x128xf32, #tpu.memory_space<hbm>> -> memref<30000x128xf32, #tpu.memory_space<hbm>>
    tpu.wait_indirect_dma semaphore(%arg12 : memref<!tpu.dma_semaphore, #tpu.memory_space<semaphore_mem>>) src(%dma_wait3A_45 : memref<30000x128xf32, #tpu.memory_space<hbm>>) dst(%arg9 : memref<64x128xf32, #tpu.memory_space<vmem>>)
    %run_scoped3A = arith.constant 154 : i32
    "tpu.region"() ({
      %run_scoped3A_59 = tpu.sem_alloc : memref<!tpu.dma_semaphore, #tpu.memory_space<semaphore_mem>>
      %dma_start3A_60 = arith.constant 0 : i32
      %dma_start3A_61 = tpu.memref_slice %arg8[%run_scoped3A, %dma_start3A_60] : memref<157x64xi32, #tpu.memory_space<vmem>> -> memref<1x64xi32, #tpu.memory_space<vmem>>
      %dma_start3A_62 = tpu.memref_squeeze %dma_start3A_61 : memref<1x64xi32, #tpu.memory_space<vmem>> -> memref<64xi32, #tpu.memory_space<vmem>>
      %dma_start3A_63 = arith.constant 0 : i32
      %dma_start3A_64 = arith.constant 0 : i32
      %dma_start3A_65 = tpu.memref_slice %arg11[%dma_start3A_63, %dma_start3A_64] : memref<10240x128xf32, #tpu.memory_space<vmem_shared>> -> memref<10240x128xf32, #tpu.memory_space<vmem_shared>>
      tpu.enqueue_indirect_dma source(%arg9 : memref<64x128xf32, #tpu.memory_space<vmem>>) target(%dma_start3A_65 : memref<10240x128xf32, #tpu.memory_space<vmem_shared>>) offsets(%dma_start3A_62 : memref<64xi32, #tpu.memory_space<vmem>>) semaphore(%run_scoped3A_59 : memref<!tpu.dma_semaphore, #tpu.memory_space<semaphore_mem>>) {add = true}
      %dma_wait3A_66 = arith.constant 0 : i32
      %dma_wait3A_67 = tpu.memref_slice %arg8[%run_scoped3A, %dma_wait3A_66] : memref<157x64xi32, #tpu.memory_space<vmem>> -> memref<1x64xi32, #tpu.memory_space<vmem>>
      %dma_wait3A_68 = tpu.memref_squeeze %dma_wait3A_67 : memref<1x64xi32, #tpu.memory_space<vmem>> -> memref<64xi32, #tpu.memory_space<vmem>>
      %dma_wait3A_69 = arith.constant 0 : i32
      %dma_wait3A_70 = arith.constant 0 : i32
      %dma_wait3A_71 = tpu.memref_slice %arg11[%dma_wait3A_69, %dma_wait3A_70] : memref<10240x128xf32, #tpu.memory_space<vmem_shared>> -> memref<10240x128xf32, #tpu.memory_space<vmem_shared>>
      tpu.wait_indirect_dma semaphore(%run_scoped3A_59 : memref<!tpu.dma_semaphore, #tpu.memory_space<semaphore_mem>>) src(%arg9 : memref<64x128xf32, #tpu.memory_space<vmem>>) dst(%dma_wait3A_71 : memref<10240x128xf32, #tpu.memory_space<vmem_shared>>)
      tpu.yield
    }) : () -> ()
    %dma_wait3A_46 = arith.constant 9920 : i32
    %dma_wait3A_47 = tpu.memref_slice %arg7[%dma_wait3A_46] : memref<10048xi32, #tpu.memory_space<vmem>> -> memref<64xi32, #tpu.memory_space<vmem>>
    %dma_wait3A_48 = arith.constant 0 : i32
    %dma_wait3A_49 = arith.constant 0 : i32
    %dma_wait3A_50 = tpu.memref_slice %arg2[%dma_wait3A_48, %dma_wait3A_49] : memref<30000x128xf32, #tpu.memory_space<hbm>> -> memref<30000x128xf32, #tpu.memory_space<hbm>>
    tpu.wait_indirect_dma semaphore(%arg13 : memref<!tpu.dma_semaphore, #tpu.memory_space<semaphore_mem>>) src(%dma_wait3A_50 : memref<30000x128xf32, #tpu.memory_space<hbm>>) dst(%arg10 : memref<64x128xf32, #tpu.memory_space<vmem>>)
    %run_scoped3A_51 = arith.constant 155 : i32
    "tpu.region"() ({
      %run_scoped3A_59 = tpu.sem_alloc : memref<!tpu.dma_semaphore, #tpu.memory_space<semaphore_mem>>
      %dma_start3A_60 = arith.constant 0 : i32
      %dma_start3A_61 = tpu.memref_slice %arg8[%run_scoped3A_51, %dma_start3A_60] : memref<157x64xi32, #tpu.memory_space<vmem>> -> memref<1x64xi32, #tpu.memory_space<vmem>>
      %dma_start3A_62 = tpu.memref_squeeze %dma_start3A_61 : memref<1x64xi32, #tpu.memory_space<vmem>> -> memref<64xi32, #tpu.memory_space<vmem>>
      %dma_start3A_63 = arith.constant 0 : i32
      %dma_start3A_64 = arith.constant 0 : i32
      %dma_start3A_65 = tpu.memref_slice %arg11[%dma_start3A_63, %dma_start3A_64] : memref<10240x128xf32, #tpu.memory_space<vmem_shared>> -> memref<10240x128xf32, #tpu.memory_space<vmem_shared>>
      tpu.enqueue_indirect_dma source(%arg10 : memref<64x128xf32, #tpu.memory_space<vmem>>) target(%dma_start3A_65 : memref<10240x128xf32, #tpu.memory_space<vmem_shared>>) offsets(%dma_start3A_62 : memref<64xi32, #tpu.memory_space<vmem>>) semaphore(%run_scoped3A_59 : memref<!tpu.dma_semaphore, #tpu.memory_space<semaphore_mem>>) {add = true}
      %dma_wait3A_66 = arith.constant 0 : i32
      %dma_wait3A_67 = tpu.memref_slice %arg8[%run_scoped3A_51, %dma_wait3A_66] : memref<157x64xi32, #tpu.memory_space<vmem>> -> memref<1x64xi32, #tpu.memory_space<vmem>>
      %dma_wait3A_68 = tpu.memref_squeeze %dma_wait3A_67 : memref<1x64xi32, #tpu.memory_space<vmem>> -> memref<64xi32, #tpu.memory_space<vmem>>
      %dma_wait3A_69 = arith.constant 0 : i32
      %dma_wait3A_70 = arith.constant 0 : i32
      %dma_wait3A_71 = tpu.memref_slice %arg11[%dma_wait3A_69, %dma_wait3A_70] : memref<10240x128xf32, #tpu.memory_space<vmem_shared>> -> memref<10240x128xf32, #tpu.memory_space<vmem_shared>>
      tpu.wait_indirect_dma semaphore(%run_scoped3A_59 : memref<!tpu.dma_semaphore, #tpu.memory_space<semaphore_mem>>) src(%arg10 : memref<64x128xf32, #tpu.memory_space<vmem>>) dst(%dma_wait3A_71 : memref<10240x128xf32, #tpu.memory_space<vmem_shared>>)
      tpu.yield
    }) : () -> ()
    %lt3A = arith.constant 8 : i32
    %lt3A_52 = arith.cmpi slt, %add3A, %lt3A : i32
    %convert_element_type3A = arith.extui %lt3A_52 : i1 to i32
    %cond3A = arith.constant 0 : i32
    %cond3A_53 = arith.cmpi ne, %convert_element_type3A, %cond3A : i32
    scf.if %cond3A_53 {
      "tpu.region"() ({
        %run_scoped3A_60 = tpu.sem_alloc : memref<!tpu.dma_semaphore, #tpu.memory_space<semaphore_mem>>
        %dma_start3A_61 = arith.constant 9984 : i32
        %dma_start3A_62 = tpu.memref_slice %arg7[%dma_start3A_61] : memref<10048xi32, #tpu.memory_space<vmem>> -> memref<64xi32, #tpu.memory_space<vmem>>
        %dma_start3A_63 = arith.constant 0 : i32
        %dma_start3A_64 = arith.constant 0 : i32
        %dma_start3A_65 = tpu.memref_slice %arg2[%dma_start3A_63, %dma_start3A_64] : memref<30000x128xf32, #tpu.memory_space<hbm>> -> memref<30000x128xf32, #tpu.memory_space<hbm>>
        tpu.enqueue_indirect_dma source(%dma_start3A_65 : memref<30000x128xf32, #tpu.memory_space<hbm>>) target(%arg9 : memref<64x128xf32, #tpu.memory_space<vmem>>) offsets(%dma_start3A_62 : memref<64xi32, #tpu.memory_space<vmem>>) semaphore(%run_scoped3A_60 : memref<!tpu.dma_semaphore, #tpu.memory_space<semaphore_mem>>)
        %dma_wait3A_66 = arith.constant 9984 : i32
        %dma_wait3A_67 = tpu.memref_slice %arg7[%dma_wait3A_66] : memref<10048xi32, #tpu.memory_space<vmem>> -> memref<64xi32, #tpu.memory_space<vmem>>
        %dma_wait3A_68 = arith.constant 0 : i32
        %dma_wait3A_69 = arith.constant 0 : i32
        %dma_wait3A_70 = tpu.memref_slice %arg2[%dma_wait3A_68, %dma_wait3A_69] : memref<30000x128xf32, #tpu.memory_space<hbm>> -> memref<30000x128xf32, #tpu.memory_space<hbm>>
        tpu.wait_indirect_dma semaphore(%run_scoped3A_60 : memref<!tpu.dma_semaphore, #tpu.memory_space<semaphore_mem>>) src(%dma_wait3A_70 : memref<30000x128xf32, #tpu.memory_space<hbm>>) dst(%arg9 : memref<64x128xf32, #tpu.memory_space<vmem>>)
        tpu.yield
      }) : () -> ()
      %run_scoped3A_59 = arith.constant 156 : i32
      "tpu.region"() ({
        %run_scoped3A_60 = tpu.sem_alloc : memref<!tpu.dma_semaphore, #tpu.memory_space<semaphore_mem>>
        %dma_start3A_61 = arith.constant 0 : i32
        %dma_start3A_62 = tpu.memref_slice %arg8[%run_scoped3A_59, %dma_start3A_61] : memref<157x64xi32, #tpu.memory_space<vmem>> -> memref<1x64xi32, #tpu.memory_space<vmem>>
        %dma_start3A_63 = tpu.memref_squeeze %dma_start3A_62 : memref<1x64xi32, #tpu.memory_space<vmem>> -> memref<64xi32, #tpu.memory_space<vmem>>
        %dma_start3A_64 = arith.constant 0 : i32
        %dma_start3A_65 = arith.constant 0 : i32
        %dma_start3A_66 = tpu.memref_slice %arg11[%dma_start3A_64, %dma_start3A_65] : memref<10240x128xf32, #tpu.memory_space<vmem_shared>> -> memref<10240x128xf32, #tpu.memory_space<vmem_shared>>
        tpu.enqueue_indirect_dma source(%arg9 : memref<64x128xf32, #tpu.memory_space<vmem>>) target(%dma_start3A_66 : memref<10240x128xf32, #tpu.memory_space<vmem_shared>>) offsets(%dma_start3A_63 : memref<64xi32, #tpu.memory_space<vmem>>) semaphore(%run_scoped3A_60 : memref<!tpu.dma_semaphore, #tpu.memory_space<semaphore_mem>>) {add = true}
        %dma_wait3A_67 = arith.constant 0 : i32
        %dma_wait3A_68 = tpu.memref_slice %arg8[%run_scoped3A_59, %dma_wait3A_67] : memref<157x64xi32, #tpu.memory_space<vmem>> -> memref<1x64xi32, #tpu.memory_space<vmem>>
        %dma_wait3A_69 = tpu.memref_squeeze %dma_wait3A_68 : memref<1x64xi32, #tpu.memory_space<vmem>> -> memref<64xi32, #tpu.memory_space<vmem>>
        %dma_wait3A_70 = arith.constant 0 : i32
        %dma_wait3A_71 = arith.constant 0 : i32
        %dma_wait3A_72 = tpu.memref_slice %arg11[%dma_wait3A_70, %dma_wait3A_71] : memref<10240x128xf32, #tpu.memory_space<vmem_shared>> -> memref<10240x128xf32, #tpu.memory_space<vmem_shared>>
        tpu.wait_indirect_dma semaphore(%run_scoped3A_60 : memref<!tpu.dma_semaphore, #tpu.memory_space<semaphore_mem>>) src(%arg9 : memref<64x128xf32, #tpu.memory_space<vmem>>) dst(%dma_wait3A_72 : memref<10240x128xf32, #tpu.memory_space<vmem_shared>>)
        tpu.yield
      }) : () -> ()
    } else {
    }
    %barrier3A_54 = arith.constant 0 : index
    tpu.barrier barrier_id(%barrier3A_54)
    %mul3A_55 = arith.constant 640 : i32
    %mul3A_56 = arith.muli %arg1, %mul3A_55 : i32
    %mul3A_57 = arith.constant 640 : i32
    %mul3A_58 = arith.muli %arg1, %mul3A_57 : i32
    "tpu.region"() ({
      %run_scoped3A_59 = tpu.sem_alloc : memref<!tpu.dma_semaphore, #tpu.memory_space<semaphore_mem>>
      %dma_start3A_60 = arith.constant 0 : i32
      %dma_start3A_61 = tpu.memref_slice %arg6[%arg0, %mul3A_58, %dma_start3A_60] : memref<2x10240x128xf32, #tpu.memory_space<hbm>> -> memref<1x640x128xf32, #tpu.memory_space<hbm>>
      %dma_start3A_62 = tpu.memref_squeeze %dma_start3A_61 : memref<1x640x128xf32, #tpu.memory_space<hbm>> -> memref<640x128xf32, #tpu.memory_space<hbm>>
      %dma_start3A_63 = arith.constant 0 : i32
      %dma_start3A_64 = tpu.memref_slice %arg11[%mul3A_56, %dma_start3A_63] : memref<10240x128xf32, #tpu.memory_space<vmem_shared>> -> memref<640x128xf32, #tpu.memory_space<vmem_shared>>
      tpu.enqueue_dma source(%dma_start3A_64 : memref<640x128xf32, #tpu.memory_space<vmem_shared>>) target(%dma_start3A_62 : memref<640x128xf32, #tpu.memory_space<hbm>>) target_semaphore(%run_scoped3A_59 : memref<!tpu.dma_semaphore, #tpu.memory_space<semaphore_mem>>)
      %dma_wait3A_65 = arith.constant 0 : i32
      %dma_wait3A_66 = tpu.memref_slice %arg6[%arg0, %mul3A_58, %dma_wait3A_65] : memref<2x10240x128xf32, #tpu.memory_space<hbm>> -> memref<1x640x128xf32, #tpu.memory_space<hbm>>
      %dma_wait3A_67 = tpu.memref_squeeze %dma_wait3A_66 : memref<1x640x128xf32, #tpu.memory_space<hbm>> -> memref<640x128xf32, #tpu.memory_space<hbm>>
      %dma_wait3A_68 = arith.constant 0 : i32
      %dma_wait3A_69 = tpu.memref_slice %arg11[%mul3A_56, %dma_wait3A_68] : memref<10240x128xf32, #tpu.memory_space<vmem_shared>> -> memref<640x128xf32, #tpu.memory_space<vmem_shared>>
      tpu.wait_dma2 semaphore(%run_scoped3A_59 : memref<!tpu.dma_semaphore, #tpu.memory_space<semaphore_mem>>) src(%dma_wait3A_69 : memref<640x128xf32, #tpu.memory_space<vmem_shared>>) dst(%dma_wait3A_67 : memref<640x128xf32, #tpu.memory_space<hbm>>)
      tpu.yield
    }) : () -> ()
    return
  }
}

#map = affine_map<(d0, d1) -> (0, 0)>
#map1 = affine_map<(d0, d1) -> (0)>
#map2 = affine_map<(d0, d1) -> (0, 0, 0)>
module attributes {stable_mosaic.version = 14 : i64} {
  func.func @_sc_body(%arg0: i32, %arg1: i32, %arg2: memref<30000x128xf32, #tpu.memory_space<hbm>>, %arg3: memref<321536xi32, #tpu.memory_space<hbm>>, %arg4: memref<32x157x64xi32, #tpu.memory_space<hbm>>, %arg5: memref<640x128xf32, #tpu.memory_space<hbm>>, %arg6: memref<2x10240x128xf32, #tpu.memory_space<hbm>>, %arg7: memref<10048xi32, #tpu.memory_space<vmem>>, %arg8: memref<157x64xi32, #tpu.memory_space<vmem>>, %arg9: memref<64x128xf32, #tpu.memory_space<vmem>>, %arg10: memref<64x128xf32, #tpu.memory_space<vmem>>, %arg11: memref<10240x128xf32, #tpu.memory_space<vmem_shared>>, %arg12: memref<!tpu.dma_semaphore, #tpu.memory_space<semaphore_mem>>, %arg13: memref<!tpu.dma_semaphore, #tpu.memory_space<semaphore_mem>>, %arg14: memref<!tpu.dma_semaphore, #tpu.memory_space<semaphore_mem>>) attributes {dimension_semantics = [#tpu.dimension_semantics<core_parallel>, #tpu.dimension_semantics<subcore_parallel>], iteration_bounds = array<i64: 2, 16>, scalar_prefetch = 0 : i64, scratch_operands = 8 : i64, tpu.core_type = #tpu.core_type<sc_vector_subcore>, window_params = [{transform_indices = #map}, {transform_indices = #map1}, {transform_indices = #map2}, {transform_indices = #map}, {transform_indices = #map2}]} {
    %mul3A = arith.constant 2 : i32
    %mul3A_0 = arith.muli %arg1, %mul3A : i32
    %add3A = arith.addi %mul3A_0, %arg0 : i32
    %mul3A_1 = arith.constant 640 : i32
    %mul3A_2 = arith.muli %arg1, %mul3A_1 : i32
    %mul3A_3 = arith.constant 10048 : i32
    %mul3A_4 = arith.muli %add3A, %mul3A_3 : i32
    %dma_start3A = arith.constant 0 : i32
    %dma_start3A_5 = tpu.memref_slice %arg11[%mul3A_2, %dma_start3A] : memref<10240x128xf32, #tpu.memory_space<vmem_shared>> -> memref<640x128xf32, #tpu.memory_space<vmem_shared>>
    tpu.enqueue_dma source(%arg5 : memref<640x128xf32, #tpu.memory_space<hbm>>) target(%dma_start3A_5 : memref<640x128xf32, #tpu.memory_space<vmem_shared>>) target_semaphore(%arg14 : memref<!tpu.dma_semaphore, #tpu.memory_space<semaphore_mem>>)
    %dma_start3A_6 = tpu.memref_slice %arg3[%mul3A_4] : memref<321536xi32, #tpu.memory_space<hbm>> -> memref<10048xi32, #tpu.memory_space<hbm>>
    %dma_start3A_7 = tpu.memref_slice %arg3[%mul3A_4] : memref<321536xi32, #tpu.memory_space<hbm>> -> memref<10048xi32, #tpu.memory_space<hbm>>
    tpu.enqueue_dma source(%dma_start3A_7 : memref<10048xi32, #tpu.memory_space<hbm>>) target(%arg7 : memref<10048xi32, #tpu.memory_space<vmem>>) target_semaphore(%arg14 : memref<!tpu.dma_semaphore, #tpu.memory_space<semaphore_mem>>)
    %dma_start3A_8 = arith.constant 0 : i32
    %dma_start3A_9 = arith.constant 0 : i32
    %dma_start3A_10 = tpu.memref_slice %arg4[%add3A, %dma_start3A_8, %dma_start3A_9] : memref<32x157x64xi32, #tpu.memory_space<hbm>> -> memref<1x157x64xi32, #tpu.memory_space<hbm>>
    %dma_start3A_11 = tpu.memref_squeeze %dma_start3A_10 : memref<1x157x64xi32, #tpu.memory_space<hbm>> -> memref<157x64xi32, #tpu.memory_space<hbm>>
    %dma_start3A_12 = arith.constant 0 : i32
    %dma_start3A_13 = arith.constant 0 : i32
    %dma_start3A_14 = tpu.memref_slice %arg4[%add3A, %dma_start3A_12, %dma_start3A_13] : memref<32x157x64xi32, #tpu.memory_space<hbm>> -> memref<1x157x64xi32, #tpu.memory_space<hbm>>
    %dma_start3A_15 = tpu.memref_squeeze %dma_start3A_14 : memref<1x157x64xi32, #tpu.memory_space<hbm>> -> memref<157x64xi32, #tpu.memory_space<hbm>>
    tpu.enqueue_dma source(%dma_start3A_15 : memref<157x64xi32, #tpu.memory_space<hbm>>) target(%arg8 : memref<157x64xi32, #tpu.memory_space<vmem>>) target_semaphore(%arg14 : memref<!tpu.dma_semaphore, #tpu.memory_space<semaphore_mem>>)
    %dma_wait3A = arith.constant 0 : i32
    %dma_wait3A_16 = tpu.memref_slice %arg11[%mul3A_2, %dma_wait3A] : memref<10240x128xf32, #tpu.memory_space<vmem_shared>> -> memref<640x128xf32, #tpu.memory_space<vmem_shared>>
    tpu.wait_dma2 semaphore(%arg14 : memref<!tpu.dma_semaphore, #tpu.memory_space<semaphore_mem>>) src(%arg5 : memref<640x128xf32, #tpu.memory_space<hbm>>) dst(%dma_wait3A_16 : memref<640x128xf32, #tpu.memory_space<vmem_shared>>)
    %dma_wait3A_17 = tpu.memref_slice %arg3[%mul3A_4] : memref<321536xi32, #tpu.memory_space<hbm>> -> memref<10048xi32, #tpu.memory_space<hbm>>
    %dma_wait3A_18 = tpu.memref_slice %arg3[%mul3A_4] : memref<321536xi32, #tpu.memory_space<hbm>> -> memref<10048xi32, #tpu.memory_space<hbm>>
    tpu.wait_dma2 semaphore(%arg14 : memref<!tpu.dma_semaphore, #tpu.memory_space<semaphore_mem>>) src(%dma_wait3A_18 : memref<10048xi32, #tpu.memory_space<hbm>>) dst(%arg7 : memref<10048xi32, #tpu.memory_space<vmem>>)
    %dma_wait3A_19 = arith.constant 0 : i32
    %dma_wait3A_20 = arith.constant 0 : i32
    %dma_wait3A_21 = tpu.memref_slice %arg4[%add3A, %dma_wait3A_19, %dma_wait3A_20] : memref<32x157x64xi32, #tpu.memory_space<hbm>> -> memref<1x157x64xi32, #tpu.memory_space<hbm>>
    %dma_wait3A_22 = tpu.memref_squeeze %dma_wait3A_21 : memref<1x157x64xi32, #tpu.memory_space<hbm>> -> memref<157x64xi32, #tpu.memory_space<hbm>>
    %dma_wait3A_23 = arith.constant 0 : i32
    %dma_wait3A_24 = arith.constant 0 : i32
    %dma_wait3A_25 = tpu.memref_slice %arg4[%add3A, %dma_wait3A_23, %dma_wait3A_24] : memref<32x157x64xi32, #tpu.memory_space<hbm>> -> memref<1x157x64xi32, #tpu.memory_space<hbm>>
    %dma_wait3A_26 = tpu.memref_squeeze %dma_wait3A_25 : memref<1x157x64xi32, #tpu.memory_space<hbm>> -> memref<157x64xi32, #tpu.memory_space<hbm>>
    tpu.wait_dma2 semaphore(%arg14 : memref<!tpu.dma_semaphore, #tpu.memory_space<semaphore_mem>>) src(%dma_wait3A_26 : memref<157x64xi32, #tpu.memory_space<hbm>>) dst(%arg8 : memref<157x64xi32, #tpu.memory_space<vmem>>)
    %barrier3A = arith.constant 0 : index
    tpu.barrier barrier_id(%barrier3A)
    %dma_start3A_27 = arith.constant 0 : i32
    %dma_start3A_28 = tpu.memref_slice %arg7[%dma_start3A_27] : memref<10048xi32, #tpu.memory_space<vmem>> -> memref<64xi32, #tpu.memory_space<vmem>>
    %dma_start3A_29 = arith.constant 0 : i32
    %dma_start3A_30 = arith.constant 0 : i32
    %dma_start3A_31 = tpu.memref_slice %arg2[%dma_start3A_29, %dma_start3A_30] : memref<30000x128xf32, #tpu.memory_space<hbm>> -> memref<30000x128xf32, #tpu.memory_space<hbm>>
    tpu.enqueue_indirect_dma source(%dma_start3A_31 : memref<30000x128xf32, #tpu.memory_space<hbm>>) target(%arg9 : memref<64x128xf32, #tpu.memory_space<vmem>>) offsets(%dma_start3A_28 : memref<64xi32, #tpu.memory_space<vmem>>) semaphore(%arg12 : memref<!tpu.dma_semaphore, #tpu.memory_space<semaphore_mem>>)
    %dma_start3A_32 = arith.constant 64 : i32
    %dma_start3A_33 = tpu.memref_slice %arg7[%dma_start3A_32] : memref<10048xi32, #tpu.memory_space<vmem>> -> memref<64xi32, #tpu.memory_space<vmem>>
    %dma_start3A_34 = arith.constant 0 : i32
    %dma_start3A_35 = arith.constant 0 : i32
    %dma_start3A_36 = tpu.memref_slice %arg2[%dma_start3A_34, %dma_start3A_35] : memref<30000x128xf32, #tpu.memory_space<hbm>> -> memref<30000x128xf32, #tpu.memory_space<hbm>>
    tpu.enqueue_indirect_dma source(%dma_start3A_36 : memref<30000x128xf32, #tpu.memory_space<hbm>>) target(%arg10 : memref<64x128xf32, #tpu.memory_space<vmem>>) offsets(%dma_start3A_33 : memref<64xi32, #tpu.memory_space<vmem>>) semaphore(%arg13 : memref<!tpu.dma_semaphore, #tpu.memory_space<semaphore_mem>>)
    %scan3A = arith.constant 0 : i32
    %scan3A_37 = arith.constant 77 : i32
    %scan3A_38 = arith.addi %scan3A, %scan3A_37 : i32
    %scan3A_39 = arith.constant 1 : i32
    scf.for %scan3A_59 = %scan3A to %scan3A_38 step %scan3A_39  : i32 {
      %mul3A_60 = arith.constant 2 : i32
      %mul3A_61 = arith.muli %scan3A_59, %mul3A_60 : i32
      %add3A_62 = arith.constant 0 : i32
      %add3A_63 = arith.addi %add3A_62, %mul3A_61 : i32
      %mul3A_64 = arith.constant 64 : i32
      %mul3A_65 = arith.muli %add3A_63, %mul3A_64 : i32
      %dma_wait3A_66 = tpu.memref_slice %arg7[%mul3A_65] : memref<10048xi32, #tpu.memory_space<vmem>> -> memref<64xi32, #tpu.memory_space<vmem>>
      %dma_wait3A_67 = arith.constant 0 : i32
      %dma_wait3A_68 = arith.constant 0 : i32
      %dma_wait3A_69 = tpu.memref_slice %arg2[%dma_wait3A_67, %dma_wait3A_68] : memref<30000x128xf32, #tpu.memory_space<hbm>> -> memref<30000x128xf32, #tpu.memory_space<hbm>>
      tpu.wait_indirect_dma semaphore(%arg12 : memref<!tpu.dma_semaphore, #tpu.memory_space<semaphore_mem>>) src(%dma_wait3A_69 : memref<30000x128xf32, #tpu.memory_space<hbm>>) dst(%arg9 : memref<64x128xf32, #tpu.memory_space<vmem>>)
      "tpu.region"() ({
        %run_scoped3A_96 = tpu.sem_alloc : memref<!tpu.dma_semaphore, #tpu.memory_space<semaphore_mem>>
        %dma_start3A_97 = arith.constant 0 : i32
        %dma_start3A_98 = tpu.memref_slice %arg8[%add3A_63, %dma_start3A_97] : memref<157x64xi32, #tpu.memory_space<vmem>> -> memref<1x64xi32, #tpu.memory_space<vmem>>
        %dma_start3A_99 = tpu.memref_squeeze %dma_start3A_98 : memref<1x64xi32, #tpu.memory_space<vmem>> -> memref<64xi32, #tpu.memory_space<vmem>>
        %dma_start3A_100 = arith.constant 0 : i32
        %dma_start3A_101 = arith.constant 0 : i32
        %dma_start3A_102 = tpu.memref_slice %arg11[%dma_start3A_100, %dma_start3A_101] : memref<10240x128xf32, #tpu.memory_space<vmem_shared>> -> memref<10240x128xf32, #tpu.memory_space<vmem_shared>>
        tpu.enqueue_indirect_dma source(%arg9 : memref<64x128xf32, #tpu.memory_space<vmem>>) target(%dma_start3A_102 : memref<10240x128xf32, #tpu.memory_space<vmem_shared>>) offsets(%dma_start3A_99 : memref<64xi32, #tpu.memory_space<vmem>>) semaphore(%run_scoped3A_96 : memref<!tpu.dma_semaphore, #tpu.memory_space<semaphore_mem>>) {add = true}
        %dma_wait3A_103 = arith.constant 0 : i32
        %dma_wait3A_104 = tpu.memref_slice %arg8[%add3A_63, %dma_wait3A_103] : memref<157x64xi32, #tpu.memory_space<vmem>> -> memref<1x64xi32, #tpu.memory_space<vmem>>
        %dma_wait3A_105 = tpu.memref_squeeze %dma_wait3A_104 : memref<1x64xi32, #tpu.memory_space<vmem>> -> memref<64xi32, #tpu.memory_space<vmem>>
        %dma_wait3A_106 = arith.constant 0 : i32
        %dma_wait3A_107 = arith.constant 0 : i32
        %dma_wait3A_108 = tpu.memref_slice %arg11[%dma_wait3A_106, %dma_wait3A_107] : memref<10240x128xf32, #tpu.memory_space<vmem_shared>> -> memref<10240x128xf32, #tpu.memory_space<vmem_shared>>
        tpu.wait_indirect_dma semaphore(%run_scoped3A_96 : memref<!tpu.dma_semaphore, #tpu.memory_space<semaphore_mem>>) src(%arg9 : memref<64x128xf32, #tpu.memory_space<vmem>>) dst(%dma_wait3A_108 : memref<10240x128xf32, #tpu.memory_space<vmem_shared>>)
        tpu.yield
      }) : () -> ()
      %add3A_70 = arith.constant 2 : i32
      %add3A_71 = arith.addi %add3A_63, %add3A_70 : i32
      %mul3A_72 = arith.constant 64 : i32
      %mul3A_73 = arith.muli %add3A_71, %mul3A_72 : i32
      %dma_start3A_74 = tpu.memref_slice %arg7[%mul3A_73] : memref<10048xi32, #tpu.memory_space<vmem>> -> memref<64xi32, #tpu.memory_space<vmem>>
      %dma_start3A_75 = arith.constant 0 : i32
      %dma_start3A_76 = arith.constant 0 : i32
      %dma_start3A_77 = tpu.memref_slice %arg2[%dma_start3A_75, %dma_start3A_76] : memref<30000x128xf32, #tpu.memory_space<hbm>> -> memref<30000x128xf32, #tpu.memory_space<hbm>>
      tpu.enqueue_indirect_dma source(%dma_start3A_77 : memref<30000x128xf32, #tpu.memory_space<hbm>>) target(%arg9 : memref<64x128xf32, #tpu.memory_space<vmem>>) offsets(%dma_start3A_74 : memref<64xi32, #tpu.memory_space<vmem>>) semaphore(%arg12 : memref<!tpu.dma_semaphore, #tpu.memory_space<semaphore_mem>>)
      %add3A_78 = arith.constant 1 : i32
      %add3A_79 = arith.addi %add3A_63, %add3A_78 : i32
      %mul3A_80 = arith.constant 64 : i32
      %mul3A_81 = arith.muli %add3A_79, %mul3A_80 : i32
      %dma_wait3A_82 = tpu.memref_slice %arg7[%mul3A_81] : memref<10048xi32, #tpu.memory_space<vmem>> -> memref<64xi32, #tpu.memory_space<vmem>>
      %dma_wait3A_83 = arith.constant 0 : i32
      %dma_wait3A_84 = arith.constant 0 : i32
      %dma_wait3A_85 = tpu.memref_slice %arg2[%dma_wait3A_83, %dma_wait3A_84] : memref<30000x128xf32, #tpu.memory_space<hbm>> -> memref<30000x128xf32, #tpu.memory_space<hbm>>
      tpu.wait_indirect_dma semaphore(%arg13 : memref<!tpu.dma_semaphore, #tpu.memory_space<semaphore_mem>>) src(%dma_wait3A_85 : memref<30000x128xf32, #tpu.memory_space<hbm>>) dst(%arg10 : memref<64x128xf32, #tpu.memory_space<vmem>>)
      %add3A_86 = arith.constant 1 : i32
      %add3A_87 = arith.addi %add3A_63, %add3A_86 : i32
      "tpu.region"() ({
        %run_scoped3A_96 = tpu.sem_alloc : memref<!tpu.dma_semaphore, #tpu.memory_space<semaphore_mem>>
        %dma_start3A_97 = arith.constant 0 : i32
        %dma_start3A_98 = tpu.memref_slice %arg8[%add3A_87, %dma_start3A_97] : memref<157x64xi32, #tpu.memory_space<vmem>> -> memref<1x64xi32, #tpu.memory_space<vmem>>
        %dma_start3A_99 = tpu.memref_squeeze %dma_start3A_98 : memref<1x64xi32, #tpu.memory_space<vmem>> -> memref<64xi32, #tpu.memory_space<vmem>>
        %dma_start3A_100 = arith.constant 0 : i32
        %dma_start3A_101 = arith.constant 0 : i32
        %dma_start3A_102 = tpu.memref_slice %arg11[%dma_start3A_100, %dma_start3A_101] : memref<10240x128xf32, #tpu.memory_space<vmem_shared>> -> memref<10240x128xf32, #tpu.memory_space<vmem_shared>>
        tpu.enqueue_indirect_dma source(%arg10 : memref<64x128xf32, #tpu.memory_space<vmem>>) target(%dma_start3A_102 : memref<10240x128xf32, #tpu.memory_space<vmem_shared>>) offsets(%dma_start3A_99 : memref<64xi32, #tpu.memory_space<vmem>>) semaphore(%run_scoped3A_96 : memref<!tpu.dma_semaphore, #tpu.memory_space<semaphore_mem>>) {add = true}
        %dma_wait3A_103 = arith.constant 0 : i32
        %dma_wait3A_104 = tpu.memref_slice %arg8[%add3A_87, %dma_wait3A_103] : memref<157x64xi32, #tpu.memory_space<vmem>> -> memref<1x64xi32, #tpu.memory_space<vmem>>
        %dma_wait3A_105 = tpu.memref_squeeze %dma_wait3A_104 : memref<1x64xi32, #tpu.memory_space<vmem>> -> memref<64xi32, #tpu.memory_space<vmem>>
        %dma_wait3A_106 = arith.constant 0 : i32
        %dma_wait3A_107 = arith.constant 0 : i32
        %dma_wait3A_108 = tpu.memref_slice %arg11[%dma_wait3A_106, %dma_wait3A_107] : memref<10240x128xf32, #tpu.memory_space<vmem_shared>> -> memref<10240x128xf32, #tpu.memory_space<vmem_shared>>
        tpu.wait_indirect_dma semaphore(%run_scoped3A_96 : memref<!tpu.dma_semaphore, #tpu.memory_space<semaphore_mem>>) src(%arg10 : memref<64x128xf32, #tpu.memory_space<vmem>>) dst(%dma_wait3A_108 : memref<10240x128xf32, #tpu.memory_space<vmem_shared>>)
        tpu.yield
      }) : () -> ()
      %add3A_88 = arith.constant 3 : i32
      %add3A_89 = arith.addi %add3A_63, %add3A_88 : i32
      %mul3A_90 = arith.constant 64 : i32
      %mul3A_91 = arith.muli %add3A_89, %mul3A_90 : i32
      %dma_start3A_92 = tpu.memref_slice %arg7[%mul3A_91] : memref<10048xi32, #tpu.memory_space<vmem>> -> memref<64xi32, #tpu.memory_space<vmem>>
      %dma_start3A_93 = arith.constant 0 : i32
      %dma_start3A_94 = arith.constant 0 : i32
      %dma_start3A_95 = tpu.memref_slice %arg2[%dma_start3A_93, %dma_start3A_94] : memref<30000x128xf32, #tpu.memory_space<hbm>> -> memref<30000x128xf32, #tpu.memory_space<hbm>>
      tpu.enqueue_indirect_dma source(%dma_start3A_95 : memref<30000x128xf32, #tpu.memory_space<hbm>>) target(%arg10 : memref<64x128xf32, #tpu.memory_space<vmem>>) offsets(%dma_start3A_92 : memref<64xi32, #tpu.memory_space<vmem>>) semaphore(%arg13 : memref<!tpu.dma_semaphore, #tpu.memory_space<semaphore_mem>>)
    }
    %scan3A_40 = arith.constant 77 : i32
    %dma_wait3A_41 = arith.constant 9856 : i32
    %dma_wait3A_42 = tpu.memref_slice %arg7[%dma_wait3A_41] : memref<10048xi32, #tpu.memory_space<vmem>> -> memref<64xi32, #tpu.memory_space<vmem>>
    %dma_wait3A_43 = arith.constant 0 : i32
    %dma_wait3A_44 = arith.constant 0 : i32
    %dma_wait3A_45 = tpu.memref_slice %arg2[%dma_wait3A_43, %dma_wait3A_44] : memref<30000x128xf32, #tpu.memory_space<hbm>> -> memref<30000x128xf32, #tpu.memory_space<hbm>>
    tpu.wait_indirect_dma semaphore(%arg12 : memref<!tpu.dma_semaphore, #tpu.memory_space<semaphore_mem>>) src(%dma_wait3A_45 : memref<30000x128xf32, #tpu.memory_space<hbm>>) dst(%arg9 : memref<64x128xf32, #tpu.memory_space<vmem>>)
    %run_scoped3A = arith.constant 154 : i32
    "tpu.region"() ({
      %run_scoped3A_59 = tpu.sem_alloc : memref<!tpu.dma_semaphore, #tpu.memory_space<semaphore_mem>>
      %dma_start3A_60 = arith.constant 0 : i32
      %dma_start3A_61 = tpu.memref_slice %arg8[%run_scoped3A, %dma_start3A_60] : memref<157x64xi32, #tpu.memory_space<vmem>> -> memref<1x64xi32, #tpu.memory_space<vmem>>
      %dma_start3A_62 = tpu.memref_squeeze %dma_start3A_61 : memref<1x64xi32, #tpu.memory_space<vmem>> -> memref<64xi32, #tpu.memory_space<vmem>>
      %dma_start3A_63 = arith.constant 0 : i32
      %dma_start3A_64 = arith.constant 0 : i32
      %dma_start3A_65 = tpu.memref_slice %arg11[%dma_start3A_63, %dma_start3A_64] : memref<10240x128xf32, #tpu.memory_space<vmem_shared>> -> memref<10240x128xf32, #tpu.memory_space<vmem_shared>>
      tpu.enqueue_indirect_dma source(%arg9 : memref<64x128xf32, #tpu.memory_space<vmem>>) target(%dma_start3A_65 : memref<10240x128xf32, #tpu.memory_space<vmem_shared>>) offsets(%dma_start3A_62 : memref<64xi32, #tpu.memory_space<vmem>>) semaphore(%run_scoped3A_59 : memref<!tpu.dma_semaphore, #tpu.memory_space<semaphore_mem>>) {add = true}
      %dma_wait3A_66 = arith.constant 0 : i32
      %dma_wait3A_67 = tpu.memref_slice %arg8[%run_scoped3A, %dma_wait3A_66] : memref<157x64xi32, #tpu.memory_space<vmem>> -> memref<1x64xi32, #tpu.memory_space<vmem>>
      %dma_wait3A_68 = tpu.memref_squeeze %dma_wait3A_67 : memref<1x64xi32, #tpu.memory_space<vmem>> -> memref<64xi32, #tpu.memory_space<vmem>>
      %dma_wait3A_69 = arith.constant 0 : i32
      %dma_wait3A_70 = arith.constant 0 : i32
      %dma_wait3A_71 = tpu.memref_slice %arg11[%dma_wait3A_69, %dma_wait3A_70] : memref<10240x128xf32, #tpu.memory_space<vmem_shared>> -> memref<10240x128xf32, #tpu.memory_space<vmem_shared>>
      tpu.wait_indirect_dma semaphore(%run_scoped3A_59 : memref<!tpu.dma_semaphore, #tpu.memory_space<semaphore_mem>>) src(%arg9 : memref<64x128xf32, #tpu.memory_space<vmem>>) dst(%dma_wait3A_71 : memref<10240x128xf32, #tpu.memory_space<vmem_shared>>)
      tpu.yield
    }) : () -> ()
    %dma_wait3A_46 = arith.constant 9920 : i32
    %dma_wait3A_47 = tpu.memref_slice %arg7[%dma_wait3A_46] : memref<10048xi32, #tpu.memory_space<vmem>> -> memref<64xi32, #tpu.memory_space<vmem>>
    %dma_wait3A_48 = arith.constant 0 : i32
    %dma_wait3A_49 = arith.constant 0 : i32
    %dma_wait3A_50 = tpu.memref_slice %arg2[%dma_wait3A_48, %dma_wait3A_49] : memref<30000x128xf32, #tpu.memory_space<hbm>> -> memref<30000x128xf32, #tpu.memory_space<hbm>>
    tpu.wait_indirect_dma semaphore(%arg13 : memref<!tpu.dma_semaphore, #tpu.memory_space<semaphore_mem>>) src(%dma_wait3A_50 : memref<30000x128xf32, #tpu.memory_space<hbm>>) dst(%arg10 : memref<64x128xf32, #tpu.memory_space<vmem>>)
    %run_scoped3A_51 = arith.constant 155 : i32
    "tpu.region"() ({
      %run_scoped3A_59 = tpu.sem_alloc : memref<!tpu.dma_semaphore, #tpu.memory_space<semaphore_mem>>
      %dma_start3A_60 = arith.constant 0 : i32
      %dma_start3A_61 = tpu.memref_slice %arg8[%run_scoped3A_51, %dma_start3A_60] : memref<157x64xi32, #tpu.memory_space<vmem>> -> memref<1x64xi32, #tpu.memory_space<vmem>>
      %dma_start3A_62 = tpu.memref_squeeze %dma_start3A_61 : memref<1x64xi32, #tpu.memory_space<vmem>> -> memref<64xi32, #tpu.memory_space<vmem>>
      %dma_start3A_63 = arith.constant 0 : i32
      %dma_start3A_64 = arith.constant 0 : i32
      %dma_start3A_65 = tpu.memref_slice %arg11[%dma_start3A_63, %dma_start3A_64] : memref<10240x128xf32, #tpu.memory_space<vmem_shared>> -> memref<10240x128xf32, #tpu.memory_space<vmem_shared>>
      tpu.enqueue_indirect_dma source(%arg10 : memref<64x128xf32, #tpu.memory_space<vmem>>) target(%dma_start3A_65 : memref<10240x128xf32, #tpu.memory_space<vmem_shared>>) offsets(%dma_start3A_62 : memref<64xi32, #tpu.memory_space<vmem>>) semaphore(%run_scoped3A_59 : memref<!tpu.dma_semaphore, #tpu.memory_space<semaphore_mem>>) {add = true}
      %dma_wait3A_66 = arith.constant 0 : i32
      %dma_wait3A_67 = tpu.memref_slice %arg8[%run_scoped3A_51, %dma_wait3A_66] : memref<157x64xi32, #tpu.memory_space<vmem>> -> memref<1x64xi32, #tpu.memory_space<vmem>>
      %dma_wait3A_68 = tpu.memref_squeeze %dma_wait3A_67 : memref<1x64xi32, #tpu.memory_space<vmem>> -> memref<64xi32, #tpu.memory_space<vmem>>
      %dma_wait3A_69 = arith.constant 0 : i32
      %dma_wait3A_70 = arith.constant 0 : i32
      %dma_wait3A_71 = tpu.memref_slice %arg11[%dma_wait3A_69, %dma_wait3A_70] : memref<10240x128xf32, #tpu.memory_space<vmem_shared>> -> memref<10240x128xf32, #tpu.memory_space<vmem_shared>>
      tpu.wait_indirect_dma semaphore(%run_scoped3A_59 : memref<!tpu.dma_semaphore, #tpu.memory_space<semaphore_mem>>) src(%arg10 : memref<64x128xf32, #tpu.memory_space<vmem>>) dst(%dma_wait3A_71 : memref<10240x128xf32, #tpu.memory_space<vmem_shared>>)
      tpu.yield
    }) : () -> ()
    %lt3A = arith.constant 8 : i32
    %lt3A_52 = arith.cmpi slt, %add3A, %lt3A : i32
    %convert_element_type3A = arith.extui %lt3A_52 : i1 to i32
    %cond3A = arith.constant 0 : i32
    %cond3A_53 = arith.cmpi ne, %convert_element_type3A, %cond3A : i32
    scf.if %cond3A_53 {
      "tpu.region"() ({
        %run_scoped3A_60 = tpu.sem_alloc : memref<!tpu.dma_semaphore, #tpu.memory_space<semaphore_mem>>
        %dma_start3A_61 = arith.constant 9984 : i32
        %dma_start3A_62 = tpu.memref_slice %arg7[%dma_start3A_61] : memref<10048xi32, #tpu.memory_space<vmem>> -> memref<64xi32, #tpu.memory_space<vmem>>
        %dma_start3A_63 = arith.constant 0 : i32
        %dma_start3A_64 = arith.constant 0 : i32
        %dma_start3A_65 = tpu.memref_slice %arg2[%dma_start3A_63, %dma_start3A_64] : memref<30000x128xf32, #tpu.memory_space<hbm>> -> memref<30000x128xf32, #tpu.memory_space<hbm>>
        tpu.enqueue_indirect_dma source(%dma_start3A_65 : memref<30000x128xf32, #tpu.memory_space<hbm>>) target(%arg9 : memref<64x128xf32, #tpu.memory_space<vmem>>) offsets(%dma_start3A_62 : memref<64xi32, #tpu.memory_space<vmem>>) semaphore(%run_scoped3A_60 : memref<!tpu.dma_semaphore, #tpu.memory_space<semaphore_mem>>)
        %dma_wait3A_66 = arith.constant 9984 : i32
        %dma_wait3A_67 = tpu.memref_slice %arg7[%dma_wait3A_66] : memref<10048xi32, #tpu.memory_space<vmem>> -> memref<64xi32, #tpu.memory_space<vmem>>
        %dma_wait3A_68 = arith.constant 0 : i32
        %dma_wait3A_69 = arith.constant 0 : i32
        %dma_wait3A_70 = tpu.memref_slice %arg2[%dma_wait3A_68, %dma_wait3A_69] : memref<30000x128xf32, #tpu.memory_space<hbm>> -> memref<30000x128xf32, #tpu.memory_space<hbm>>
        tpu.wait_indirect_dma semaphore(%run_scoped3A_60 : memref<!tpu.dma_semaphore, #tpu.memory_space<semaphore_mem>>) src(%dma_wait3A_70 : memref<30000x128xf32, #tpu.memory_space<hbm>>) dst(%arg9 : memref<64x128xf32, #tpu.memory_space<vmem>>)
        tpu.yield
      }) : () -> ()
      %run_scoped3A_59 = arith.constant 156 : i32
      "tpu.region"() ({
        %run_scoped3A_60 = tpu.sem_alloc : memref<!tpu.dma_semaphore, #tpu.memory_space<semaphore_mem>>
        %dma_start3A_61 = arith.constant 0 : i32
        %dma_start3A_62 = tpu.memref_slice %arg8[%run_scoped3A_59, %dma_start3A_61] : memref<157x64xi32, #tpu.memory_space<vmem>> -> memref<1x64xi32, #tpu.memory_space<vmem>>
        %dma_start3A_63 = tpu.memref_squeeze %dma_start3A_62 : memref<1x64xi32, #tpu.memory_space<vmem>> -> memref<64xi32, #tpu.memory_space<vmem>>
        %dma_start3A_64 = arith.constant 0 : i32
        %dma_start3A_65 = arith.constant 0 : i32
        %dma_start3A_66 = tpu.memref_slice %arg11[%dma_start3A_64, %dma_start3A_65] : memref<10240x128xf32, #tpu.memory_space<vmem_shared>> -> memref<10240x128xf32, #tpu.memory_space<vmem_shared>>
        tpu.enqueue_indirect_dma source(%arg9 : memref<64x128xf32, #tpu.memory_space<vmem>>) target(%dma_start3A_66 : memref<10240x128xf32, #tpu.memory_space<vmem_shared>>) offsets(%dma_start3A_63 : memref<64xi32, #tpu.memory_space<vmem>>) semaphore(%run_scoped3A_60 : memref<!tpu.dma_semaphore, #tpu.memory_space<semaphore_mem>>) {add = true}
        %dma_wait3A_67 = arith.constant 0 : i32
        %dma_wait3A_68 = tpu.memref_slice %arg8[%run_scoped3A_59, %dma_wait3A_67] : memref<157x64xi32, #tpu.memory_space<vmem>> -> memref<1x64xi32, #tpu.memory_space<vmem>>
        %dma_wait3A_69 = tpu.memref_squeeze %dma_wait3A_68 : memref<1x64xi32, #tpu.memory_space<vmem>> -> memref<64xi32, #tpu.memory_space<vmem>>
        %dma_wait3A_70 = arith.constant 0 : i32
        %dma_wait3A_71 = arith.constant 0 : i32
        %dma_wait3A_72 = tpu.memref_slice %arg11[%dma_wait3A_70, %dma_wait3A_71] : memref<10240x128xf32, #tpu.memory_space<vmem_shared>> -> memref<10240x128xf32, #tpu.memory_space<vmem_shared>>
        tpu.wait_indirect_dma semaphore(%run_scoped3A_60 : memref<!tpu.dma_semaphore, #tpu.memory_space<semaphore_mem>>) src(%arg9 : memref<64x128xf32, #tpu.memory_space<vmem>>) dst(%dma_wait3A_72 : memref<10240x128xf32, #tpu.memory_space<vmem_shared>>)
        tpu.yield
      }) : () -> ()
    } else {
    }
    %barrier3A_54 = arith.constant 0 : index
    tpu.barrier barrier_id(%barrier3A_54)
    %mul3A_55 = arith.constant 640 : i32
    %mul3A_56 = arith.muli %arg1, %mul3A_55 : i32
    %mul3A_57 = arith.constant 640 : i32
    %mul3A_58 = arith.muli %arg1, %mul3A_57 : i32
    "tpu.region"() ({
      %run_scoped3A_59 = tpu.sem_alloc : memref<!tpu.dma_semaphore, #tpu.memory_space<semaphore_mem>>
      %dma_start3A_60 = arith.constant 0 : i32
      %dma_start3A_61 = tpu.memref_slice %arg6[%arg0, %mul3A_58, %dma_start3A_60] : memref<2x10240x128xf32, #tpu.memory_space<hbm>> -> memref<1x640x128xf32, #tpu.memory_space<hbm>>
      %dma_start3A_62 = tpu.memref_squeeze %dma_start3A_61 : memref<1x640x128xf32, #tpu.memory_space<hbm>> -> memref<640x128xf32, #tpu.memory_space<hbm>>
      %dma_start3A_63 = arith.constant 0 : i32
      %dma_start3A_64 = tpu.memref_slice %arg11[%mul3A_56, %dma_start3A_63] : memref<10240x128xf32, #tpu.memory_space<vmem_shared>> -> memref<640x128xf32, #tpu.memory_space<vmem_shared>>
      tpu.enqueue_dma source(%dma_start3A_64 : memref<640x128xf32, #tpu.memory_space<vmem_shared>>) target(%dma_start3A_62 : memref<640x128xf32, #tpu.memory_space<hbm>>) target_semaphore(%run_scoped3A_59 : memref<!tpu.dma_semaphore, #tpu.memory_space<semaphore_mem>>)
      %dma_wait3A_65 = arith.constant 0 : i32
      %dma_wait3A_66 = tpu.memref_slice %arg6[%arg0, %mul3A_58, %dma_wait3A_65] : memref<2x10240x128xf32, #tpu.memory_space<hbm>> -> memref<1x640x128xf32, #tpu.memory_space<hbm>>
      %dma_wait3A_67 = tpu.memref_squeeze %dma_wait3A_66 : memref<1x640x128xf32, #tpu.memory_space<hbm>> -> memref<640x128xf32, #tpu.memory_space<hbm>>
      %dma_wait3A_68 = arith.constant 0 : i32
      %dma_wait3A_69 = tpu.memref_slice %arg11[%mul3A_56, %dma_wait3A_68] : memref<10240x128xf32, #tpu.memory_space<vmem_shared>> -> memref<640x128xf32, #tpu.memory_space<vmem_shared>>
      tpu.wait_dma2 semaphore(%run_scoped3A_59 : memref<!tpu.dma_semaphore, #tpu.memory_space<semaphore_mem>>) src(%dma_wait3A_69 : memref<640x128xf32, #tpu.memory_space<vmem_shared>>) dst(%dma_wait3A_67 : memref<640x128xf32, #tpu.memory_space<hbm>>)
      tpu.yield
    }) : () -> ()
    return
  }
}

module attributes {stable_mosaic.version = 14 : i64} {
  func.func @_stage_init_body(%arg0: i32, %arg1: memref<400x128xf32, #tpu.memory_space<vmem>>, %arg2: memref<128x128xf32, #tpu.memory_space<vmem>>, %arg3: memref<1x128xf32, #tpu.memory_space<vmem>>, %arg4: memref<3x128x128xf32, #tpu.memory_space<vmem>>, %arg5: memref<3x128xf32, #tpu.memory_space<vmem>>, %arg6: memref<400x128xf32, #tpu.memory_space<vmem>>, %arg7: memref<3x400x128xf32, #tpu.memory_space<vmem>>) attributes {dimension_semantics = [#tpu.dimension_semantics<parallel>], iteration_bounds = array<i64: 25>, scalar_prefetch = 0 : i64, scratch_operands = 0 : i64, tpu.core_type = #tpu.core_type<tc>, window_params = [{transform_indices = @transform_0, window_bounds = array<i64: 400, 128>}, {pipeline_mode = #tpu.pipeline_mode<synchronous>, transform_indices = @transform_1, window_bounds = array<i64: 128, 128>}, {pipeline_mode = #tpu.pipeline_mode<synchronous>, transform_indices = @transform_2, window_bounds = array<i64: 1, 128>}, {pipeline_mode = #tpu.pipeline_mode<synchronous>, transform_indices = @transform_3, window_bounds = array<i64: 3, 128, 128>}, {pipeline_mode = #tpu.pipeline_mode<synchronous>, transform_indices = @transform_4, window_bounds = array<i64: 3, 128>}, {transform_indices = @transform_5, window_bounds = array<i64: 400, 128>}, {transform_indices = @transform_6, window_bounds = array<i64: 3, 400, 128>}]} {
    %get3A = arith.constant 0 : index
    %get3A_0 = arith.constant 0 : index
    %get3A_1 = vector.load %arg1[%get3A, %get3A_0] : memref<400x128xf32, #tpu.memory_space<vmem>>, vector<400x128xf32>
    %get3A_2 = arith.constant 0 : index
    %get3A_3 = arith.constant 0 : index
    %get3A_4 = vector.load %arg2[%get3A_2, %get3A_3] : memref<128x128xf32, #tpu.memory_space<vmem>>, vector<128x128xf32>
    %dot_general3A = arith.constant dense<0.000000e+00> : vector<400x128xf32>
    %dot_general3A_5 = tpu.matmul %get3A_1, %get3A_4, %dot_general3A {dimension_numbers = #tpu.dot_dimension_numbers<[1], [0], [0], [1], [0, 0, 1, 1], [], []>, transpose_lhs_hint = false} : vector<400x128xf32>, vector<128x128xf32>, vector<400x128xf32> -> vector<400x128xf32>
    %get3A_6 = arith.constant 0 : index
    %get3A_7 = arith.constant 0 : index
    %get3A_8 = vector.load %arg3[%get3A_6, %get3A_7] : memref<1x128xf32, #tpu.memory_space<vmem>>, vector<1x128xf32>
    %add3A = vector.broadcast %get3A_8 : vector<1x128xf32> to vector<400x128xf32>
    %add3A_9 = arith.addf %dot_general3A_5, %add3A : vector<400x128xf32>
    %swap3A = arith.constant 0 : index
    %swap3A_10 = arith.constant 0 : index
    %swap3A_11 = vector.load %arg6[%swap3A, %swap3A_10] : memref<400x128xf32, #tpu.memory_space<vmem>>, vector<400x128xf32>
    tpu.vector_store %arg6[%swap3A, %swap3A_10], %add3A_9 {strides = array<i32>} : memref<400x128xf32, #tpu.memory_space<vmem>>, vector<400x128xf32>,
    %get3A_12 = arith.constant 0 : index
    %get3A_13 = arith.constant 0 : index
    %get3A_14 = arith.constant 0 : index
    %get3A_15 = vector.load %arg4[%get3A_12, %get3A_13, %get3A_14] : memref<3x128x128xf32, #tpu.memory_space<vmem>>, vector<1x128x128xf32>
    %get3A_16 = vector.shape_cast %get3A_15 : vector<1x128x128xf32> to vector<128x128xf32>
    %dot_general3A_17 = arith.constant dense<0.000000e+00> : vector<400x128xf32>
    %dot_general3A_18 = tpu.matmul %add3A_9, %get3A_16, %dot_general3A_17 {dimension_numbers = #tpu.dot_dimension_numbers<[1], [0], [0], [1], [0, 0, 1, 1], [], []>, transpose_lhs_hint = false} : vector<400x128xf32>, vector<128x128xf32>, vector<400x128xf32> -> vector<400x128xf32>
    %get3A_19 = arith.constant 0 : index
    %get3A_20 = arith.constant 0 : index
    %get3A_21 = vector.load %arg5[%get3A_19, %get3A_20] : memref<3x128xf32, #tpu.memory_space<vmem>>, vector<1x128xf32>
    %get3A_22 = vector.shape_cast %get3A_21 : vector<1x128xf32> to vector<128xf32>
    %broadcast_in_dim3A = vector.shape_cast %get3A_22 : vector<128xf32> to vector<1x128xf32>
    %add3A_23 = vector.broadcast %broadcast_in_dim3A : vector<1x128xf32> to vector<400x128xf32>
    %add3A_24 = arith.addf %dot_general3A_18, %add3A_23 : vector<400x128xf32>
    %swap3A_25 = arith.constant 0 : index
    %swap3A_26 = arith.constant 0 : index
    %swap3A_27 = arith.constant 0 : index
    %swap3A_28 = vector.load %arg7[%swap3A_25, %swap3A_26, %swap3A_27] : memref<3x400x128xf32, #tpu.memory_space<vmem>>, vector<1x400x128xf32>
    %swap3A_29 = vector.shape_cast %swap3A_28 : vector<1x400x128xf32> to vector<400x128xf32>
    %swap3A_30 = vector.shape_cast %add3A_24 : vector<400x128xf32> to vector<1x400x128xf32>
    tpu.vector_store %arg7[%swap3A_25, %swap3A_26, %swap3A_27], %swap3A_30 {strides = array<i32>} : memref<3x400x128xf32, #tpu.memory_space<vmem>>, vector<1x400x128xf32>,
    %get3A_31 = arith.constant 1 : index
    %get3A_32 = arith.constant 0 : index
    %get3A_33 = arith.constant 0 : index
    %get3A_34 = vector.load %arg4[%get3A_31, %get3A_32, %get3A_33] : memref<3x128x128xf32, #tpu.memory_space<vmem>>, vector<1x128x128xf32>
    %get3A_35 = vector.shape_cast %get3A_34 : vector<1x128x128xf32> to vector<128x128xf32>
    %dot_general3A_36 = arith.constant dense<0.000000e+00> : vector<400x128xf32>
    %dot_general3A_37 = tpu.matmul %add3A_9, %get3A_35, %dot_general3A_36 {dimension_numbers = #tpu.dot_dimension_numbers<[1], [0], [0], [1], [0, 0, 1, 1], [], []>, transpose_lhs_hint = false} : vector<400x128xf32>, vector<128x128xf32>, vector<400x128xf32> -> vector<400x128xf32>
    %get3A_38 = arith.constant 1 : index
    %get3A_39 = arith.constant 0 : index
    %get3A_40 = vector.load %arg5[%get3A_38, %get3A_39] : memref<3x128xf32, #tpu.memory_space<vmem>>, vector<1x128xf32>
    %get3A_41 = vector.shape_cast %get3A_40 : vector<1x128xf32> to vector<128xf32>
    %broadcast_in_dim3A_42 = vector.shape_cast %get3A_41 : vector<128xf32> to vector<1x128xf32>
    %add3A_43 = vector.broadcast %broadcast_in_dim3A_42 : vector<1x128xf32> to vector<400x128xf32>
    %add3A_44 = arith.addf %dot_general3A_37, %add3A_43 : vector<400x128xf32>
    %swap3A_45 = arith.constant 1 : index
    %swap3A_46 = arith.constant 0 : index
    %swap3A_47 = arith.constant 0 : index
    %swap3A_48 = vector.load %arg7[%swap3A_45, %swap3A_46, %swap3A_47] : memref<3x400x128xf32, #tpu.memory_space<vmem>>, vector<1x400x128xf32>
    %swap3A_49 = vector.shape_cast %swap3A_48 : vector<1x400x128xf32> to vector<400x128xf32>
    %swap3A_50 = vector.shape_cast %add3A_44 : vector<400x128xf32> to vector<1x400x128xf32>
    tpu.vector_store %arg7[%swap3A_45, %swap3A_46, %swap3A_47], %swap3A_50 {strides = array<i32>} : memref<3x400x128xf32, #tpu.memory_space<vmem>>, vector<1x400x128xf32>,
    %get3A_51 = arith.constant 2 : index
    %get3A_52 = arith.constant 0 : index
    %get3A_53 = arith.constant 0 : index
    %get3A_54 = vector.load %arg4[%get3A_51, %get3A_52, %get3A_53] : memref<3x128x128xf32, #tpu.memory_space<vmem>>, vector<1x128x128xf32>
    %get3A_55 = vector.shape_cast %get3A_54 : vector<1x128x128xf32> to vector<128x128xf32>
    %dot_general3A_56 = arith.constant dense<0.000000e+00> : vector<400x128xf32>
    %dot_general3A_57 = tpu.matmul %add3A_9, %get3A_55, %dot_general3A_56 {dimension_numbers = #tpu.dot_dimension_numbers<[1], [0], [0], [1], [0, 0, 1, 1], [], []>, transpose_lhs_hint = false} : vector<400x128xf32>, vector<128x128xf32>, vector<400x128xf32> -> vector<400x128xf32>
    %get3A_58 = arith.constant 2 : index
    %get3A_59 = arith.constant 0 : index
    %get3A_60 = vector.load %arg5[%get3A_58, %get3A_59] : memref<3x128xf32, #tpu.memory_space<vmem>>, vector<1x128xf32>
    %get3A_61 = vector.shape_cast %get3A_60 : vector<1x128xf32> to vector<128xf32>
    %broadcast_in_dim3A_62 = vector.shape_cast %get3A_61 : vector<128xf32> to vector<1x128xf32>
    %add3A_63 = vector.broadcast %broadcast_in_dim3A_62 : vector<1x128xf32> to vector<400x128xf32>
    %add3A_64 = arith.addf %dot_general3A_57, %add3A_63 : vector<400x128xf32>
    %swap3A_65 = arith.constant 2 : index
    %swap3A_66 = arith.constant 0 : index
    %swap3A_67 = arith.constant 0 : index
    %swap3A_68 = vector.load %arg7[%swap3A_65, %swap3A_66, %swap3A_67] : memref<3x400x128xf32, #tpu.memory_space<vmem>>, vector<1x400x128xf32>
    %swap3A_69 = vector.shape_cast %swap3A_68 : vector<1x400x128xf32> to vector<400x128xf32>
    %swap3A_70 = vector.shape_cast %add3A_64 : vector<400x128xf32> to vector<1x400x128xf32>
    tpu.vector_store %arg7[%swap3A_65, %swap3A_66, %swap3A_67], %swap3A_70 {strides = array<i32>} : memref<3x400x128xf32, #tpu.memory_space<vmem>>, vector<1x400x128xf32>,
    return
  }
  func.func @transform_0(%arg0: i32) -> (i32, i32) {
    %c0_i32 = arith.constant 0 : i32
    %c0_i32_0 = arith.constant 0 : i32
    return %arg0, %c0_i32 : i32, i32
  }
  func.func @transform_1(%arg0: i32) -> (i32, i32) {
    %c0_i32 = arith.constant 0 : i32
    %c0_i32_0 = arith.constant 0 : i32
    %c0_i32_1 = arith.constant 0 : i32
    return %c0_i32, %c0_i32_0 : i32, i32
  }
  func.func @transform_2(%arg0: i32) -> (i32, i32) {
    %c0_i32 = arith.constant 0 : i32
    %c0_i32_0 = arith.constant 0 : i32
    %c0_i32_1 = arith.constant 0 : i32
    return %c0_i32, %c0_i32_0 : i32, i32
  }
  func.func @transform_3(%arg0: i32) -> (i32, i32, i32) {
    %c0_i32 = arith.constant 0 : i32
    %c0_i32_0 = arith.constant 0 : i32
    %c0_i32_1 = arith.constant 0 : i32
    %c0_i32_2 = arith.constant 0 : i32
    return %c0_i32, %c0_i32_0, %c0_i32_1 : i32, i32, i32
  }
  func.func @transform_4(%arg0: i32) -> (i32, i32) {
    %c0_i32 = arith.constant 0 : i32
    %c0_i32_0 = arith.constant 0 : i32
    %c0_i32_1 = arith.constant 0 : i32
    return %c0_i32, %c0_i32_0 : i32, i32
  }
  func.func @transform_5(%arg0: i32) -> (i32, i32) {
    %c0_i32 = arith.constant 0 : i32
    %c0_i32_0 = arith.constant 0 : i32
    return %arg0, %c0_i32 : i32, i32
  }
  func.func @transform_6(%arg0: i32) -> (i32, i32, i32) {
    %c0_i32 = arith.constant 0 : i32
    %c0_i32_0 = arith.constant 0 : i32
    %c0_i32_1 = arith.constant 0 : i32
    return %c0_i32, %arg0, %c0_i32_0 : i32, i32, i32
  }
}

module attributes {stable_mosaic.version = 14 : i64} {
  func.func @_stage_gru_body(%arg0: i32, %arg1: memref<2x400x128xf32, #tpu.memory_space<vmem>>, %arg2: memref<400x128xf32, #tpu.memory_space<vmem>>, %arg3: memref<128x384xf32, #tpu.memory_space<vmem>>, %arg4: memref<128x384xf32, #tpu.memory_space<vmem>>, %arg5: memref<1x384xf32, #tpu.memory_space<vmem>>, %arg6: memref<1x384xf32, #tpu.memory_space<vmem>>, %arg7: memref<3x128x128xf32, #tpu.memory_space<vmem>>, %arg8: memref<3x128xf32, #tpu.memory_space<vmem>>, %arg9: memref<400x128xf32, #tpu.memory_space<vmem>>, %arg10: memref<3x400x128xf32, #tpu.memory_space<vmem>>) attributes {dimension_semantics = [#tpu.dimension_semantics<parallel>], iteration_bounds = array<i64: 25>, scalar_prefetch = 0 : i64, scratch_operands = 0 : i64, tpu.core_type = #tpu.core_type<tc>, window_params = [{transform_indices = @transform_0, window_bounds = array<i64: 2, 400, 128>}, {transform_indices = @transform_1, window_bounds = array<i64: 400, 128>}, {pipeline_mode = #tpu.pipeline_mode<synchronous>, transform_indices = @transform_2, window_bounds = array<i64: 128, 384>}, {pipeline_mode = #tpu.pipeline_mode<synchronous>, transform_indices = @transform_3, window_bounds = array<i64: 128, 384>}, {pipeline_mode = #tpu.pipeline_mode<synchronous>, transform_indices = @transform_4, window_bounds = array<i64: 1, 384>}, {pipeline_mode = #tpu.pipeline_mode<synchronous>, transform_indices = @transform_5, window_bounds = array<i64: 1, 384>}, {pipeline_mode = #tpu.pipeline_mode<synchronous>, transform_indices = @transform_6, window_bounds = array<i64: 3, 128, 128>}, {pipeline_mode = #tpu.pipeline_mode<synchronous>, transform_indices = @transform_7, window_bounds = array<i64: 3, 128>}, {transform_indices = @transform_8, window_bounds = array<i64: 400, 128>}, {transform_indices = @transform_9, window_bounds = array<i64: 3, 400, 128>}]} {
    %get3A = arith.constant 0 : index
    %get3A_0 = arith.constant 0 : index
    %get3A_1 = arith.constant 0 : index
    %get3A_2 = vector.load %arg1[%get3A, %get3A_0, %get3A_1] : memref<2x400x128xf32, #tpu.memory_space<vmem>>, vector<1x400x128xf32>
    %get3A_3 = vector.shape_cast %get3A_2 : vector<1x400x128xf32> to vector<400x128xf32>
    %get3A_4 = arith.constant 1 : index
    %get3A_5 = arith.constant 0 : index
    %get3A_6 = arith.constant 0 : index
    %get3A_7 = vector.load %arg1[%get3A_4, %get3A_5, %get3A_6] : memref<2x400x128xf32, #tpu.memory_space<vmem>>, vector<1x400x128xf32>
    %get3A_8 = vector.shape_cast %get3A_7 : vector<1x400x128xf32> to vector<400x128xf32>
    %add3A = arith.addf %get3A_3, %get3A_8 : vector<400x128xf32>
    %get3A_9 = arith.constant 0 : index
    %get3A_10 = arith.constant 0 : index
    %get3A_11 = vector.load %arg2[%get3A_9, %get3A_10] : memref<400x128xf32, #tpu.memory_space<vmem>>, vector<400x128xf32>
    %get3A_12 = arith.constant 0 : index
    %get3A_13 = arith.constant 0 : index
    %get3A_14 = vector.load %arg3[%get3A_12, %get3A_13] : memref<128x384xf32, #tpu.memory_space<vmem>>, vector<128x384xf32>
    %dot_general3A = arith.constant dense<0.000000e+00> : vector<400x384xf32>
    %dot_general3A_15 = tpu.matmul %add3A, %get3A_14, %dot_general3A {dimension_numbers = #tpu.dot_dimension_numbers<[1], [0], [0], [1], [0, 0, 1, 1], [], []>, transpose_lhs_hint = false} : vector<400x128xf32>, vector<128x384xf32>, vector<400x384xf32> -> vector<400x384xf32>
    %get3A_16 = arith.constant 0 : index
    %get3A_17 = arith.constant 0 : index
    %get3A_18 = vector.load %arg5[%get3A_16, %get3A_17] : memref<1x384xf32, #tpu.memory_space<vmem>>, vector<1x384xf32>
    %add3A_19 = vector.broadcast %get3A_18 : vector<1x384xf32> to vector<400x384xf32>
    %add3A_20 = arith.addf %dot_general3A_15, %add3A_19 : vector<400x384xf32>
    %get3A_21 = arith.constant 0 : index
    %get3A_22 = arith.constant 0 : index
    %get3A_23 = vector.load %arg4[%get3A_21, %get3A_22] : memref<128x384xf32, #tpu.memory_space<vmem>>, vector<128x384xf32>
    %dot_general3A_24 = arith.constant dense<0.000000e+00> : vector<400x384xf32>
    %dot_general3A_25 = tpu.matmul %get3A_11, %get3A_23, %dot_general3A_24 {dimension_numbers = #tpu.dot_dimension_numbers<[1], [0], [0], [1], [0, 0, 1, 1], [], []>, transpose_lhs_hint = false} : vector<400x128xf32>, vector<128x384xf32>, vector<400x384xf32> -> vector<400x384xf32>
    %get3A_26 = arith.constant 0 : index
    %get3A_27 = arith.constant 0 : index
    %get3A_28 = vector.load %arg6[%get3A_26, %get3A_27] : memref<1x384xf32, #tpu.memory_space<vmem>>, vector<1x384xf32>
    %add3A_29 = vector.broadcast %get3A_28 : vector<1x384xf32> to vector<400x384xf32>
    %add3A_30 = arith.addf %dot_general3A_25, %add3A_29 : vector<400x384xf32>
    %slice3A = vector.extract_strided_slice %add3A_20 {offsets = [0, 0], sizes = [400, 128], strides = [1, 1]} : vector<400x384xf32> to vector<400x128xf32>
    %slice3A_31 = vector.extract_strided_slice %add3A_30 {offsets = [0, 0], sizes = [400, 128], strides = [1, 1]} : vector<400x384xf32> to vector<400x128xf32>
    %add3A_32 = arith.addf %slice3A, %slice3A_31 : vector<400x128xf32>
    %logistic3A = arith.negf %add3A_32 : vector<400x128xf32>
    %logistic3A_33 = math.exp %logistic3A : vector<400x128xf32>
    %logistic3A_34 = arith.constant 1.000000e+00 : f32
    %logistic3A_35 = vector.broadcast %logistic3A_34 : f32 to vector<400x128xf32>
    %logistic3A_36 = arith.addf %logistic3A_35, %logistic3A_33 : vector<400x128xf32>
    %logistic3A_37 = arith.divf %logistic3A_35, %logistic3A_36 : vector<400x128xf32>
    %slice3A_38 = vector.extract_strided_slice %add3A_20 {offsets = [0, 128], sizes = [400, 128], strides = [1, 1]} : vector<400x384xf32> to vector<400x128xf32>
    %slice3A_39 = vector.extract_strided_slice %add3A_30 {offsets = [0, 128], sizes = [400, 128], strides = [1, 1]} : vector<400x384xf32> to vector<400x128xf32>
    %add3A_40 = arith.addf %slice3A_38, %slice3A_39 : vector<400x128xf32>
    %logistic3A_41 = arith.negf %add3A_40 : vector<400x128xf32>
    %logistic3A_42 = math.exp %logistic3A_41 : vector<400x128xf32>
    %logistic3A_43 = arith.constant 1.000000e+00 : f32
    %logistic3A_44 = vector.broadcast %logistic3A_43 : f32 to vector<400x128xf32>
    %logistic3A_45 = arith.addf %logistic3A_44, %logistic3A_42 : vector<400x128xf32>
    %logistic3A_46 = arith.divf %logistic3A_44, %logistic3A_45 : vector<400x128xf32>
    %slice3A_47 = vector.extract_strided_slice %add3A_20 {offsets = [0, 256], sizes = [400, 128], strides = [1, 1]} : vector<400x384xf32> to vector<400x128xf32>
    %slice3A_48 = vector.extract_strided_slice %add3A_30 {offsets = [0, 256], sizes = [400, 128], strides = [1, 1]} : vector<400x384xf32> to vector<400x128xf32>
    %mul3A = arith.mulf %logistic3A_37, %slice3A_48 : vector<400x128xf32>
    %add3A_49 = arith.addf %slice3A_47, %mul3A : vector<400x128xf32>
    %tanh3A = math.tanh %add3A_49 : vector<400x128xf32>
    %sub3A = arith.constant 1.000000e+00 : f32
    %sub3A_50 = vector.broadcast %sub3A : f32 to vector<400x128xf32>
    %sub3A_51 = arith.subf %sub3A_50, %logistic3A_46 : vector<400x128xf32>
    %mul3A_52 = arith.mulf %sub3A_51, %tanh3A : vector<400x128xf32>
    %mul3A_53 = arith.mulf %logistic3A_46, %get3A_11 : vector<400x128xf32>
    %add3A_54 = arith.addf %mul3A_52, %mul3A_53 : vector<400x128xf32>
    %swap3A = arith.constant 0 : index
    %swap3A_55 = arith.constant 0 : index
    %swap3A_56 = vector.load %arg9[%swap3A, %swap3A_55] : memref<400x128xf32, #tpu.memory_space<vmem>>, vector<400x128xf32>
    tpu.vector_store %arg9[%swap3A, %swap3A_55], %add3A_54 {strides = array<i32>} : memref<400x128xf32, #tpu.memory_space<vmem>>, vector<400x128xf32>,
    %get3A_57 = arith.constant 0 : index
    %get3A_58 = arith.constant 0 : index
    %get3A_59 = arith.constant 0 : index
    %get3A_60 = vector.load %arg7[%get3A_57, %get3A_58, %get3A_59] : memref<3x128x128xf32, #tpu.memory_space<vmem>>, vector<1x128x128xf32>
    %get3A_61 = vector.shape_cast %get3A_60 : vector<1x128x128xf32> to vector<128x128xf32>
    %dot_general3A_62 = arith.constant dense<0.000000e+00> : vector<400x128xf32>
    %dot_general3A_63 = tpu.matmul %add3A_54, %get3A_61, %dot_general3A_62 {dimension_numbers = #tpu.dot_dimension_numbers<[1], [0], [0], [1], [0, 0, 1, 1], [], []>, transpose_lhs_hint = false} : vector<400x128xf32>, vector<128x128xf32>, vector<400x128xf32> -> vector<400x128xf32>
    %get3A_64 = arith.constant 0 : index
    %get3A_65 = arith.constant 0 : index
    %get3A_66 = vector.load %arg8[%get3A_64, %get3A_65] : memref<3x128xf32, #tpu.memory_space<vmem>>, vector<1x128xf32>
    %get3A_67 = vector.shape_cast %get3A_66 : vector<1x128xf32> to vector<128xf32>
    %broadcast_in_dim3A = vector.shape_cast %get3A_67 : vector<128xf32> to vector<1x128xf32>
    %add3A_68 = vector.broadcast %broadcast_in_dim3A : vector<1x128xf32> to vector<400x128xf32>
    %add3A_69 = arith.addf %dot_general3A_63, %add3A_68 : vector<400x128xf32>
    %swap3A_70 = arith.constant 0 : index
    %swap3A_71 = arith.constant 0 : index
    %swap3A_72 = arith.constant 0 : index
    %swap3A_73 = vector.load %arg10[%swap3A_70, %swap3A_71, %swap3A_72] : memref<3x400x128xf32, #tpu.memory_space<vmem>>, vector<1x400x128xf32>
    %swap3A_74 = vector.shape_cast %swap3A_73 : vector<1x400x128xf32> to vector<400x128xf32>
    %swap3A_75 = vector.shape_cast %add3A_69 : vector<400x128xf32> to vector<1x400x128xf32>
    tpu.vector_store %arg10[%swap3A_70, %swap3A_71, %swap3A_72], %swap3A_75 {strides = array<i32>} : memref<3x400x128xf32, #tpu.memory_space<vmem>>, vector<1x400x128xf32>,
    %get3A_76 = arith.constant 1 : index
    %get3A_77 = arith.constant 0 : index
    %get3A_78 = arith.constant 0 : index
    %get3A_79 = vector.load %arg7[%get3A_76, %get3A_77, %get3A_78] : memref<3x128x128xf32, #tpu.memory_space<vmem>>, vector<1x128x128xf32>
    %get3A_80 = vector.shape_cast %get3A_79 : vector<1x128x128xf32> to vector<128x128xf32>
    %dot_general3A_81 = arith.constant dense<0.000000e+00> : vector<400x128xf32>
    %dot_general3A_82 = tpu.matmul %add3A_54, %get3A_80, %dot_general3A_81 {dimension_numbers = #tpu.dot_dimension_numbers<[1], [0], [0], [1], [0, 0, 1, 1], [], []>, transpose_lhs_hint = false} : vector<400x128xf32>, vector<128x128xf32>, vector<400x128xf32> -> vector<400x128xf32>
    %get3A_83 = arith.constant 1 : index
    %get3A_84 = arith.constant 0 : index
    %get3A_85 = vector.load %arg8[%get3A_83, %get3A_84] : memref<3x128xf32, #tpu.memory_space<vmem>>, vector<1x128xf32>
    %get3A_86 = vector.shape_cast %get3A_85 : vector<1x128xf32> to vector<128xf32>
    %broadcast_in_dim3A_87 = vector.shape_cast %get3A_86 : vector<128xf32> to vector<1x128xf32>
    %add3A_88 = vector.broadcast %broadcast_in_dim3A_87 : vector<1x128xf32> to vector<400x128xf32>
    %add3A_89 = arith.addf %dot_general3A_82, %add3A_88 : vector<400x128xf32>
    %swap3A_90 = arith.constant 1 : index
    %swap3A_91 = arith.constant 0 : index
    %swap3A_92 = arith.constant 0 : index
    %swap3A_93 = vector.load %arg10[%swap3A_90, %swap3A_91, %swap3A_92] : memref<3x400x128xf32, #tpu.memory_space<vmem>>, vector<1x400x128xf32>
    %swap3A_94 = vector.shape_cast %swap3A_93 : vector<1x400x128xf32> to vector<400x128xf32>
    %swap3A_95 = vector.shape_cast %add3A_89 : vector<400x128xf32> to vector<1x400x128xf32>
    tpu.vector_store %arg10[%swap3A_90, %swap3A_91, %swap3A_92], %swap3A_95 {strides = array<i32>} : memref<3x400x128xf32, #tpu.memory_space<vmem>>, vector<1x400x128xf32>,
    %get3A_96 = arith.constant 2 : index
    %get3A_97 = arith.constant 0 : index
    %get3A_98 = arith.constant 0 : index
    %get3A_99 = vector.load %arg7[%get3A_96, %get3A_97, %get3A_98] : memref<3x128x128xf32, #tpu.memory_space<vmem>>, vector<1x128x128xf32>
    %get3A_100 = vector.shape_cast %get3A_99 : vector<1x128x128xf32> to vector<128x128xf32>
    %dot_general3A_101 = arith.constant dense<0.000000e+00> : vector<400x128xf32>
    %dot_general3A_102 = tpu.matmul %add3A_54, %get3A_100, %dot_general3A_101 {dimension_numbers = #tpu.dot_dimension_numbers<[1], [0], [0], [1], [0, 0, 1, 1], [], []>, transpose_lhs_hint = false} : vector<400x128xf32>, vector<128x128xf32>, vector<400x128xf32> -> vector<400x128xf32>
    %get3A_103 = arith.constant 2 : index
    %get3A_104 = arith.constant 0 : index
    %get3A_105 = vector.load %arg8[%get3A_103, %get3A_104] : memref<3x128xf32, #tpu.memory_space<vmem>>, vector<1x128xf32>
    %get3A_106 = vector.shape_cast %get3A_105 : vector<1x128xf32> to vector<128xf32>
    %broadcast_in_dim3A_107 = vector.shape_cast %get3A_106 : vector<128xf32> to vector<1x128xf32>
    %add3A_108 = vector.broadcast %broadcast_in_dim3A_107 : vector<1x128xf32> to vector<400x128xf32>
    %add3A_109 = arith.addf %dot_general3A_102, %add3A_108 : vector<400x128xf32>
    %swap3A_110 = arith.constant 2 : index
    %swap3A_111 = arith.constant 0 : index
    %swap3A_112 = arith.constant 0 : index
    %swap3A_113 = vector.load %arg10[%swap3A_110, %swap3A_111, %swap3A_112] : memref<3x400x128xf32, #tpu.memory_space<vmem>>, vector<1x400x128xf32>
    %swap3A_114 = vector.shape_cast %swap3A_113 : vector<1x400x128xf32> to vector<400x128xf32>
    %swap3A_115 = vector.shape_cast %add3A_109 : vector<400x128xf32> to vector<1x400x128xf32>
    tpu.vector_store %arg10[%swap3A_110, %swap3A_111, %swap3A_112], %swap3A_115 {strides = array<i32>} : memref<3x400x128xf32, #tpu.memory_space<vmem>>, vector<1x400x128xf32>,
    return
  }
  func.func @transform_0(%arg0: i32) -> (i32, i32, i32) {
    %c0_i32 = arith.constant 0 : i32
    %c0_i32_0 = arith.constant 0 : i32
    %c0_i32_1 = arith.constant 0 : i32
    return %c0_i32, %arg0, %c0_i32_0 : i32, i32, i32
  }
  func.func @transform_1(%arg0: i32) -> (i32, i32) {
    %c0_i32 = arith.constant 0 : i32
    %c0_i32_0 = arith.constant 0 : i32
    return %arg0, %c0_i32 : i32, i32
  }
  func.func @transform_2(%arg0: i32) -> (i32, i32) {
    %c0_i32 = arith.constant 0 : i32
    %c0_i32_0 = arith.constant 0 : i32
    %c0_i32_1 = arith.constant 0 : i32
    return %c0_i32, %c0_i32_0 : i32, i32
  }
  func.func @transform_3(%arg0: i32) -> (i32, i32) {
    %c0_i32 = arith.constant 0 : i32
    %c0_i32_0 = arith.constant 0 : i32
    %c0_i32_1 = arith.constant 0 : i32
    return %c0_i32, %c0_i32_0 : i32, i32
  }
  func.func @transform_4(%arg0: i32) -> (i32, i32) {
    %c0_i32 = arith.constant 0 : i32
    %c0_i32_0 = arith.constant 0 : i32
    %c0_i32_1 = arith.constant 0 : i32
    return %c0_i32, %c0_i32_0 : i32, i32
  }
  func.func @transform_5(%arg0: i32) -> (i32, i32) {
    %c0_i32 = arith.constant 0 : i32
    %c0_i32_0 = arith.constant 0 : i32
    %c0_i32_1 = arith.constant 0 : i32
    return %c0_i32, %c0_i32_0 : i32, i32
  }
  func.func @transform_6(%arg0: i32) -> (i32, i32, i32) {
    %c0_i32 = arith.constant 0 : i32
    %c0_i32_0 = arith.constant 0 : i32
    %c0_i32_1 = arith.constant 0 : i32
    %c0_i32_2 = arith.constant 0 : i32
    return %c0_i32, %c0_i32_0, %c0_i32_1 : i32, i32, i32
  }
  func.func @transform_7(%arg0: i32) -> (i32, i32) {
    %c0_i32 = arith.constant 0 : i32
    %c0_i32_0 = arith.constant 0 : i32
    %c0_i32_1 = arith.constant 0 : i32
    return %c0_i32, %c0_i32_0 : i32, i32
  }
  func.func @transform_8(%arg0: i32) -> (i32, i32) {
    %c0_i32 = arith.constant 0 : i32
    %c0_i32_0 = arith.constant 0 : i32
    return %arg0, %c0_i32 : i32, i32
  }
  func.func @transform_9(%arg0: i32) -> (i32, i32, i32) {
    %c0_i32 = arith.constant 0 : i32
    %c0_i32_0 = arith.constant 0 : i32
    %c0_i32_1 = arith.constant 0 : i32
    return %c0_i32, %arg0, %c0_i32_0 : i32, i32, i32
  }
}

module attributes {stable_mosaic.version = 14 : i64} {
  func.func @_stage_final_body(%arg0: i32, %arg1: memref<2x400x128xf32, #tpu.memory_space<vmem>>, %arg2: memref<400x128xf32, #tpu.memory_space<vmem>>, %arg3: memref<128x384xf32, #tpu.memory_space<vmem>>, %arg4: memref<128x384xf32, #tpu.memory_space<vmem>>, %arg5: memref<1x384xf32, #tpu.memory_space<vmem>>, %arg6: memref<1x384xf32, #tpu.memory_space<vmem>>, %arg7: memref<400x128xf32, #tpu.memory_space<vmem>>, %arg8: memref<1x1x400xi32, #tpu.memory_space<vmem>>, %arg9: memref<128x128xf32, #tpu.memory_space<vmem>>, %arg10: memref<128x128xf32, #tpu.memory_space<vmem>>, %arg11: memref<1x128xf32, #tpu.memory_space<vmem>>, %arg12: memref<128x128xf32, #tpu.memory_space<vmem>>, %arg13: memref<128x128xf32, #tpu.memory_space<vmem>>, %arg14: memref<1x128xf32, #tpu.memory_space<vmem>>, %arg15: memref<1x128xf32, #tpu.memory_space<vmem>>, %arg16: memref<1x1xf32, #tpu.memory_space<vmem>>, %arg17: memref<128x128xf32, #tpu.memory_space<vmem>>, %arg18: memref<1x128xf32, #tpu.memory_space<vmem>>, %arg19: memref<16x128xf32, #tpu.memory_space<vmem>>, %arg20: memref<16x128xf32, #tpu.memory_space<vmem>>) attributes {dimension_semantics = [#tpu.dimension_semantics<arbitrary>], iteration_bounds = array<i64: 25>, scalar_prefetch = 0 : i64, scratch_operands = 1 : i64, tpu.core_type = #tpu.core_type<tc>, window_params = [{transform_indices = @transform_0, window_bounds = array<i64: 2, 400, 128>}, {transform_indices = @transform_1, window_bounds = array<i64: 400, 128>}, {pipeline_mode = #tpu.pipeline_mode<synchronous>, transform_indices = @transform_2, window_bounds = array<i64: 128, 384>}, {pipeline_mode = #tpu.pipeline_mode<synchronous>, transform_indices = @transform_3, window_bounds = array<i64: 128, 384>}, {pipeline_mode = #tpu.pipeline_mode<synchronous>, transform_indices = @transform_4, window_bounds = array<i64: 1, 384>}, {pipeline_mode = #tpu.pipeline_mode<synchronous>, transform_indices = @transform_5, window_bounds = array<i64: 1, 384>}, {transform_indices = @transform_6, window_bounds = array<i64: 400, 128>}, {transform_indices = @transform_7, window_bounds = array<i64: 1, 1, 400>}, {pipeline_mode = #tpu.pipeline_mode<synchronous>, transform_indices = @transform_8, window_bounds = array<i64: 128, 128>}, {pipeline_mode = #tpu.pipeline_mode<synchronous>, transform_indices = @transform_9, window_bounds = array<i64: 128, 128>}, {pipeline_mode = #tpu.pipeline_mode<synchronous>, transform_indices = @transform_10, window_bounds = array<i64: 1, 128>}, {pipeline_mode = #tpu.pipeline_mode<synchronous>, transform_indices = @transform_11, window_bounds = array<i64: 128, 128>}, {pipeline_mode = #tpu.pipeline_mode<synchronous>, transform_indices = @transform_12, window_bounds = array<i64: 128, 128>}, {pipeline_mode = #tpu.pipeline_mode<synchronous>, transform_indices = @transform_13, window_bounds = array<i64: 1, 128>}, {pipeline_mode = #tpu.pipeline_mode<synchronous>, transform_indices = @transform_14, window_bounds = array<i64: 1, 128>}, {pipeline_mode = #tpu.pipeline_mode<synchronous>, transform_indices = @transform_15, window_bounds = array<i64: 1, 1>}, {pipeline_mode = #tpu.pipeline_mode<synchronous>, transform_indices = @transform_16, window_bounds = array<i64: 128, 128>}, {pipeline_mode = #tpu.pipeline_mode<synchronous>, transform_indices = @transform_17, window_bounds = array<i64: 1, 128>}, {pipeline_mode = #tpu.pipeline_mode<synchronous>, transform_indices = @transform_18, window_bounds = array<i64: 16, 128>}]} {
    %eq3A = arith.constant 0 : i32
    %eq3A_0 = arith.cmpi eq, %arg0, %eq3A : i32
    %convert_element_type3A = arith.extui %eq3A_0 : i1 to i32
    %cond3A = arith.constant 0 : i32
    %cond3A_1 = arith.cmpi ne, %convert_element_type3A, %cond3A : i32
    scf.if %cond3A_1 {
      %broadcast_in_dim3A_136 = arith.constant 0.000000e+00 : f32
      %broadcast_in_dim3A_137 = vector.broadcast %broadcast_in_dim3A_136 : f32 to vector<16x128xf32>
      %swap3A_138 = arith.constant 0 : index
      %swap3A_139 = arith.constant 0 : index
      %swap3A_140 = vector.load %arg20[%swap3A_138, %swap3A_139] : memref<16x128xf32, #tpu.memory_space<vmem>>, vector<16x128xf32>
      tpu.vector_store %arg20[%swap3A_138, %swap3A_139], %broadcast_in_dim3A_137 {strides = array<i32>} : memref<16x128xf32, #tpu.memory_space<vmem>>, vector<16x128xf32>,
    } else {
    }
    %get3A = arith.constant 0 : index
    %get3A_2 = arith.constant 0 : index
    %get3A_3 = arith.constant 0 : index
    %get3A_4 = vector.load %arg1[%get3A, %get3A_2, %get3A_3] : memref<2x400x128xf32, #tpu.memory_space<vmem>>, vector<1x400x128xf32>
    %get3A_5 = vector.shape_cast %get3A_4 : vector<1x400x128xf32> to vector<400x128xf32>
    %get3A_6 = arith.constant 1 : index
    %get3A_7 = arith.constant 0 : index
    %get3A_8 = arith.constant 0 : index
    %get3A_9 = vector.load %arg1[%get3A_6, %get3A_7, %get3A_8] : memref<2x400x128xf32, #tpu.memory_space<vmem>>, vector<1x400x128xf32>
    %get3A_10 = vector.shape_cast %get3A_9 : vector<1x400x128xf32> to vector<400x128xf32>
    %add3A = arith.addf %get3A_5, %get3A_10 : vector<400x128xf32>
    %get3A_11 = arith.constant 0 : index
    %get3A_12 = arith.constant 0 : index
    %get3A_13 = vector.load %arg2[%get3A_11, %get3A_12] : memref<400x128xf32, #tpu.memory_space<vmem>>, vector<400x128xf32>
    %get3A_14 = arith.constant 0 : index
    %get3A_15 = arith.constant 0 : index
    %get3A_16 = vector.load %arg3[%get3A_14, %get3A_15] : memref<128x384xf32, #tpu.memory_space<vmem>>, vector<128x384xf32>
    %dot_general3A = arith.constant dense<0.000000e+00> : vector<400x384xf32>
    %dot_general3A_17 = tpu.matmul %add3A, %get3A_16, %dot_general3A {dimension_numbers = #tpu.dot_dimension_numbers<[1], [0], [0], [1], [0, 0, 1, 1], [], []>, transpose_lhs_hint = false} : vector<400x128xf32>, vector<128x384xf32>, vector<400x384xf32> -> vector<400x384xf32>
    %get3A_18 = arith.constant 0 : index
    %get3A_19 = arith.constant 0 : index
    %get3A_20 = vector.load %arg5[%get3A_18, %get3A_19] : memref<1x384xf32, #tpu.memory_space<vmem>>, vector<1x384xf32>
    %add3A_21 = vector.broadcast %get3A_20 : vector<1x384xf32> to vector<400x384xf32>
    %add3A_22 = arith.addf %dot_general3A_17, %add3A_21 : vector<400x384xf32>
    %get3A_23 = arith.constant 0 : index
    %get3A_24 = arith.constant 0 : index
    %get3A_25 = vector.load %arg4[%get3A_23, %get3A_24] : memref<128x384xf32, #tpu.memory_space<vmem>>, vector<128x384xf32>
    %dot_general3A_26 = arith.constant dense<0.000000e+00> : vector<400x384xf32>
    %dot_general3A_27 = tpu.matmul %get3A_13, %get3A_25, %dot_general3A_26 {dimension_numbers = #tpu.dot_dimension_numbers<[1], [0], [0], [1], [0, 0, 1, 1], [], []>, transpose_lhs_hint = false} : vector<400x128xf32>, vector<128x384xf32>, vector<400x384xf32> -> vector<400x384xf32>
    %get3A_28 = arith.constant 0 : index
    %get3A_29 = arith.constant 0 : index
    %get3A_30 = vector.load %arg6[%get3A_28, %get3A_29] : memref<1x384xf32, #tpu.memory_space<vmem>>, vector<1x384xf32>
    %add3A_31 = vector.broadcast %get3A_30 : vector<1x384xf32> to vector<400x384xf32>
    %add3A_32 = arith.addf %dot_general3A_27, %add3A_31 : vector<400x384xf32>
    %slice3A = vector.extract_strided_slice %add3A_22 {offsets = [0, 0], sizes = [400, 128], strides = [1, 1]} : vector<400x384xf32> to vector<400x128xf32>
    %slice3A_33 = vector.extract_strided_slice %add3A_32 {offsets = [0, 0], sizes = [400, 128], strides = [1, 1]} : vector<400x384xf32> to vector<400x128xf32>
    %add3A_34 = arith.addf %slice3A, %slice3A_33 : vector<400x128xf32>
    %logistic3A = arith.negf %add3A_34 : vector<400x128xf32>
    %logistic3A_35 = math.exp %logistic3A : vector<400x128xf32>
    %logistic3A_36 = arith.constant 1.000000e+00 : f32
    %logistic3A_37 = vector.broadcast %logistic3A_36 : f32 to vector<400x128xf32>
    %logistic3A_38 = arith.addf %logistic3A_37, %logistic3A_35 : vector<400x128xf32>
    %logistic3A_39 = arith.divf %logistic3A_37, %logistic3A_38 : vector<400x128xf32>
    %slice3A_40 = vector.extract_strided_slice %add3A_22 {offsets = [0, 128], sizes = [400, 128], strides = [1, 1]} : vector<400x384xf32> to vector<400x128xf32>
    %slice3A_41 = vector.extract_strided_slice %add3A_32 {offsets = [0, 128], sizes = [400, 128], strides = [1, 1]} : vector<400x384xf32> to vector<400x128xf32>
    %add3A_42 = arith.addf %slice3A_40, %slice3A_41 : vector<400x128xf32>
    %logistic3A_43 = arith.negf %add3A_42 : vector<400x128xf32>
    %logistic3A_44 = math.exp %logistic3A_43 : vector<400x128xf32>
    %logistic3A_45 = arith.constant 1.000000e+00 : f32
    %logistic3A_46 = vector.broadcast %logistic3A_45 : f32 to vector<400x128xf32>
    %logistic3A_47 = arith.addf %logistic3A_46, %logistic3A_44 : vector<400x128xf32>
    %logistic3A_48 = arith.divf %logistic3A_46, %logistic3A_47 : vector<400x128xf32>
    %slice3A_49 = vector.extract_strided_slice %add3A_22 {offsets = [0, 256], sizes = [400, 128], strides = [1, 1]} : vector<400x384xf32> to vector<400x128xf32>
    %slice3A_50 = vector.extract_strided_slice %add3A_32 {offsets = [0, 256], sizes = [400, 128], strides = [1, 1]} : vector<400x384xf32> to vector<400x128xf32>
    %mul3A = arith.mulf %logistic3A_39, %slice3A_50 : vector<400x128xf32>
    %add3A_51 = arith.addf %slice3A_49, %mul3A : vector<400x128xf32>
    %tanh3A = math.tanh %add3A_51 : vector<400x128xf32>
    %sub3A = arith.constant 1.000000e+00 : f32
    %sub3A_52 = vector.broadcast %sub3A : f32 to vector<400x128xf32>
    %sub3A_53 = arith.subf %sub3A_52, %logistic3A_48 : vector<400x128xf32>
    %mul3A_54 = arith.mulf %sub3A_53, %tanh3A : vector<400x128xf32>
    %mul3A_55 = arith.mulf %logistic3A_48, %get3A_13 : vector<400x128xf32>
    %add3A_56 = arith.addf %mul3A_54, %mul3A_55 : vector<400x128xf32>
    %get3A_57 = arith.constant 0 : index
    %get3A_58 = arith.constant 0 : index
    %get3A_59 = vector.load %arg7[%get3A_57, %get3A_58] : memref<400x128xf32, #tpu.memory_space<vmem>>, vector<400x128xf32>
    %get3A_60 = arith.constant 0 : index
    %get3A_61 = arith.constant 0 : index
    %get3A_62 = vector.load %arg9[%get3A_60, %get3A_61] : memref<128x128xf32, #tpu.memory_space<vmem>>, vector<128x128xf32>
    %dot_general3A_63 = arith.constant dense<0.000000e+00> : vector<400x128xf32>
    %dot_general3A_64 = tpu.matmul %add3A_56, %get3A_62, %dot_general3A_63 {dimension_numbers = #tpu.dot_dimension_numbers<[1], [0], [0], [1], [0, 0, 1, 1], [], []>, transpose_lhs_hint = false} : vector<400x128xf32>, vector<128x128xf32>, vector<400x128xf32> -> vector<400x128xf32>
    %get3A_65 = arith.constant 0 : index
    %get3A_66 = arith.constant 0 : index
    %get3A_67 = vector.load %arg10[%get3A_65, %get3A_66] : memref<128x128xf32, #tpu.memory_space<vmem>>, vector<128x128xf32>
    %dot_general3A_68 = arith.constant dense<0.000000e+00> : vector<400x128xf32>
    %dot_general3A_69 = tpu.matmul %get3A_59, %get3A_67, %dot_general3A_68 {dimension_numbers = #tpu.dot_dimension_numbers<[1], [0], [0], [1], [0, 0, 1, 1], [], []>, transpose_lhs_hint = false} : vector<400x128xf32>, vector<128x128xf32>, vector<400x128xf32> -> vector<400x128xf32>
    %add3A_70 = arith.addf %dot_general3A_64, %dot_general3A_69 : vector<400x128xf32>
    %get3A_71 = arith.constant 0 : index
    %get3A_72 = arith.constant 0 : index
    %get3A_73 = vector.load %arg11[%get3A_71, %get3A_72] : memref<1x128xf32, #tpu.memory_space<vmem>>, vector<1x128xf32>
    %add3A_74 = vector.broadcast %get3A_73 : vector<1x128xf32> to vector<400x128xf32>
    %add3A_75 = arith.addf %add3A_70, %add3A_74 : vector<400x128xf32>
    %get3A_76 = arith.constant 0 : index
    %get3A_77 = arith.constant 0 : index
    %get3A_78 = vector.load %arg12[%get3A_76, %get3A_77] : memref<128x128xf32, #tpu.memory_space<vmem>>, vector<128x128xf32>
    %dot_general3A_79 = arith.constant dense<0.000000e+00> : vector<400x128xf32>
    %dot_general3A_80 = tpu.matmul %add3A_56, %get3A_78, %dot_general3A_79 {dimension_numbers = #tpu.dot_dimension_numbers<[1], [0], [0], [1], [0, 0, 1, 1], [], []>, transpose_lhs_hint = false} : vector<400x128xf32>, vector<128x128xf32>, vector<400x128xf32> -> vector<400x128xf32>
    %get3A_81 = arith.constant 0 : index
    %get3A_82 = arith.constant 0 : index
    %get3A_83 = vector.load %arg13[%get3A_81, %get3A_82] : memref<128x128xf32, #tpu.memory_space<vmem>>, vector<128x128xf32>
    %dot_general3A_84 = arith.constant dense<0.000000e+00> : vector<400x128xf32>
    %dot_general3A_85 = tpu.matmul %get3A_59, %get3A_83, %dot_general3A_84 {dimension_numbers = #tpu.dot_dimension_numbers<[1], [0], [0], [1], [0, 0, 1, 1], [], []>, transpose_lhs_hint = false} : vector<400x128xf32>, vector<128x128xf32>, vector<400x128xf32> -> vector<400x128xf32>
    %add3A_86 = arith.addf %dot_general3A_80, %dot_general3A_85 : vector<400x128xf32>
    %get3A_87 = arith.constant 0 : index
    %get3A_88 = arith.constant 0 : index
    %get3A_89 = vector.load %arg14[%get3A_87, %get3A_88] : memref<1x128xf32, #tpu.memory_space<vmem>>, vector<1x128xf32>
    %add3A_90 = vector.broadcast %get3A_89 : vector<1x128xf32> to vector<400x128xf32>
    %add3A_91 = arith.addf %add3A_86, %add3A_90 : vector<400x128xf32>
    %tanh3A_92 = math.tanh %add3A_91 : vector<400x128xf32>
    %get3A_93 = arith.constant 0 : index
    %get3A_94 = arith.constant 0 : index
    %get3A_95 = vector.load %arg15[%get3A_93, %get3A_94] : memref<1x128xf32, #tpu.memory_space<vmem>>, vector<1x128xf32>
    %mul3A_96 = vector.broadcast %get3A_95 : vector<1x128xf32> to vector<400x128xf32>
    %mul3A_97 = arith.mulf %add3A_75, %mul3A_96 : vector<400x128xf32>
    %reduce_sum3A = arith.constant dense<0.000000e+00> : vector<400xf32>
    %reduce_sum3A_98 = vector.multi_reduction <add>, %mul3A_97, %reduce_sum3A [1] : vector<400x128xf32> to vector<400xf32>
    %broadcast_in_dim3A = vector.shape_cast %reduce_sum3A_98 : vector<400xf32> to vector<400x1xf32>
    %get3A_99 = arith.constant 0 : index
    %get3A_100 = arith.constant 0 : index
    %get3A_101 = vector.load %arg16[%get3A_99, %get3A_100] : memref<1x1xf32, #tpu.memory_space<vmem>>, vector<1x1xf32>
    %get3A_102 = vector.extract %get3A_101[0, 0] : f32 from vector<1x1xf32>
    %add3A_103 = vector.broadcast %get3A_102 : f32 to vector<400x1xf32>
    %add3A_104 = arith.addf %broadcast_in_dim3A, %add3A_103 : vector<400x1xf32>
    %logistic3A_105 = arith.negf %add3A_104 : vector<400x1xf32>
    %logistic3A_106 = math.exp %logistic3A_105 : vector<400x1xf32>
    %logistic3A_107 = arith.constant 1.000000e+00 : f32
    %logistic3A_108 = vector.broadcast %logistic3A_107 : f32 to vector<400x1xf32>
    %logistic3A_109 = arith.addf %logistic3A_108, %logistic3A_106 : vector<400x1xf32>
    %logistic3A_110 = arith.divf %logistic3A_108, %logistic3A_109 : vector<400x1xf32>
    %mul3A_111 = vector.broadcast %logistic3A_110 : vector<400x1xf32> to vector<400x128xf32>
    %mul3A_112 = arith.mulf %mul3A_111, %tanh3A_92 : vector<400x128xf32>
    %get3A_113 = arith.constant 0 : index
    %get3A_114 = arith.constant 0 : index
    %get3A_115 = arith.constant 0 : index
    %get3A_116 = vector.load %arg8[%get3A_113, %get3A_114, %get3A_115] : memref<1x1x400xi32, #tpu.memory_space<vmem>>, vector<1x1x400xi32>
    %get3A_117 = vector.shape_cast %get3A_116 : vector<1x1x400xi32> to vector<400xi32>
    %iota3A = tpu.iota {dimensions = array<i32: 0>} : vector<16x400xi32>
    %broadcast_in_dim3A_118 = vector.shape_cast %get3A_117 : vector<400xi32> to vector<1x400xi32>
    %eq3A_119 = vector.broadcast %broadcast_in_dim3A_118 : vector<1x400xi32> to vector<16x400xi32>
    %eq3A_120 = arith.cmpi eq, %iota3A, %eq3A_119 : vector<16x400xi32>
    %convert_element_type3A_121 = arith.extui %eq3A_120 : vector<16x400xi1> to vector<16x400xi32>
    %convert_element_type3A_122 = arith.sitofp %convert_element_type3A_121 : vector<16x400xi32> to vector<16x400xf32>
    %get3A_123 = arith.constant 0 : index
    %get3A_124 = arith.constant 0 : index
    %get3A_125 = vector.load %arg20[%get3A_123, %get3A_124] : memref<16x128xf32, #tpu.memory_space<vmem>>, vector<16x128xf32>
    %dot_general3A_126 = arith.constant dense<0.000000e+00> : vector<16x128xf32>
    %dot_general3A_127 = tpu.matmul %convert_element_type3A_122, %mul3A_112, %dot_general3A_126 {dimension_numbers = #tpu.dot_dimension_numbers<[1], [0], [0], [1], [0, 0, 1, 1], [], []>, transpose_lhs_hint = false} : vector<16x400xf32>, vector<400x128xf32>, vector<16x128xf32> -> vector<16x128xf32>
    %add3A_128 = arith.addf %get3A_125, %dot_general3A_127 : vector<16x128xf32>
    %swap3A = arith.constant 0 : index
    %swap3A_129 = arith.constant 0 : index
    %swap3A_130 = vector.load %arg20[%swap3A, %swap3A_129] : memref<16x128xf32, #tpu.memory_space<vmem>>, vector<16x128xf32>
    tpu.vector_store %arg20[%swap3A, %swap3A_129], %add3A_128 {strides = array<i32>} : memref<16x128xf32, #tpu.memory_space<vmem>>, vector<16x128xf32>,
    %eq3A_131 = arith.constant 24 : i32
    %eq3A_132 = arith.cmpi eq, %arg0, %eq3A_131 : i32
    %convert_element_type3A_133 = arith.extui %eq3A_132 : i1 to i32
    %cond3A_134 = arith.constant 0 : i32
    %cond3A_135 = arith.cmpi ne, %convert_element_type3A_133, %cond3A_134 : i32
    scf.if %cond3A_135 {
      %get3A_136 = arith.constant 0 : index
      %get3A_137 = arith.constant 0 : index
      %get3A_138 = vector.load %arg20[%get3A_136, %get3A_137] : memref<16x128xf32, #tpu.memory_space<vmem>>, vector<16x128xf32>
      %tanh3A_139 = math.tanh %get3A_138 : vector<16x128xf32>
      %get3A_140 = arith.constant 0 : index
      %get3A_141 = arith.constant 0 : index
      %get3A_142 = vector.load %arg17[%get3A_140, %get3A_141] : memref<128x128xf32, #tpu.memory_space<vmem>>, vector<128x128xf32>
      %dot_general3A_143 = arith.constant dense<0.000000e+00> : vector<16x128xf32>
      %dot_general3A_144 = tpu.matmul %tanh3A_139, %get3A_142, %dot_general3A_143 {dimension_numbers = #tpu.dot_dimension_numbers<[1], [0], [0], [1], [0, 0, 1, 1], [], []>, transpose_lhs_hint = false} : vector<16x128xf32>, vector<128x128xf32>, vector<16x128xf32> -> vector<16x128xf32>
      %get3A_145 = arith.constant 0 : index
      %get3A_146 = arith.constant 0 : index
      %get3A_147 = vector.load %arg18[%get3A_145, %get3A_146] : memref<1x128xf32, #tpu.memory_space<vmem>>, vector<1x128xf32>
      %add3A_148 = vector.broadcast %get3A_147 : vector<1x128xf32> to vector<16x128xf32>
      %add3A_149 = arith.addf %dot_general3A_144, %add3A_148 : vector<16x128xf32>
      %swap3A_150 = arith.constant 0 : index
      %swap3A_151 = arith.constant 0 : index
      %swap3A_152 = vector.load %arg19[%swap3A_150, %swap3A_151] : memref<16x128xf32, #tpu.memory_space<vmem>>, vector<16x128xf32>
      tpu.vector_store %arg19[%swap3A_150, %swap3A_151], %add3A_149 {strides = array<i32>} : memref<16x128xf32, #tpu.memory_space<vmem>>, vector<16x128xf32>,
    } else {
    }
    return
  }
  func.func @transform_0(%arg0: i32) -> (i32, i32, i32) {
    %c0_i32 = arith.constant 0 : i32
    %c0_i32_0 = arith.constant 0 : i32
    %c0_i32_1 = arith.constant 0 : i32
    return %c0_i32, %arg0, %c0_i32_0 : i32, i32, i32
  }
  func.func @transform_1(%arg0: i32) -> (i32, i32) {
    %c0_i32 = arith.constant 0 : i32
    %c0_i32_0 = arith.constant 0 : i32
    return %arg0, %c0_i32 : i32, i32
  }
  func.func @transform_2(%arg0: i32) -> (i32, i32) {
    %c0_i32 = arith.constant 0 : i32
    %c0_i32_0 = arith.constant 0 : i32
    %c0_i32_1 = arith.constant 0 : i32
    return %c0_i32, %c0_i32_0 : i32, i32
  }
  func.func @transform_3(%arg0: i32) -> (i32, i32) {
    %c0_i32 = arith.constant 0 : i32
    %c0_i32_0 = arith.constant 0 : i32
    %c0_i32_1 = arith.constant 0 : i32
    return %c0_i32, %c0_i32_0 : i32, i32
  }
  func.func @transform_4(%arg0: i32) -> (i32, i32) {
    %c0_i32 = arith.constant 0 : i32
    %c0_i32_0 = arith.constant 0 : i32
    %c0_i32_1 = arith.constant 0 : i32
    return %c0_i32, %c0_i32_0 : i32, i32
  }
  func.func @transform_5(%arg0: i32) -> (i32, i32) {
    %c0_i32 = arith.constant 0 : i32
    %c0_i32_0 = arith.constant 0 : i32
    %c0_i32_1 = arith.constant 0 : i32
    return %c0_i32, %c0_i32_0 : i32, i32
  }
  func.func @transform_6(%arg0: i32) -> (i32, i32) {
    %c0_i32 = arith.constant 0 : i32
    %c0_i32_0 = arith.constant 0 : i32
    return %arg0, %c0_i32 : i32, i32
  }
  func.func @transform_7(%arg0: i32) -> (i32, i32, i32) {
    %c0_i32 = arith.constant 0 : i32
    %c0_i32_0 = arith.constant 0 : i32
    %c0_i32_1 = arith.constant 0 : i32
    return %arg0, %c0_i32, %c0_i32_0 : i32, i32, i32
  }
  func.func @transform_8(%arg0: i32) -> (i32, i32) {
    %c0_i32 = arith.constant 0 : i32
    %c0_i32_0 = arith.constant 0 : i32
    %c0_i32_1 = arith.constant 0 : i32
    return %c0_i32, %c0_i32_0 : i32, i32
  }
  func.func @transform_9(%arg0: i32) -> (i32, i32) {
    %c0_i32 = arith.constant 0 : i32
    %c0_i32_0 = arith.constant 0 : i32
    %c0_i32_1 = arith.constant 0 : i32
    return %c0_i32, %c0_i32_0 : i32, i32
  }
  func.func @transform_10(%arg0: i32) -> (i32, i32) {
    %c0_i32 = arith.constant 0 : i32
    %c0_i32_0 = arith.constant 0 : i32
    %c0_i32_1 = arith.constant 0 : i32
    return %c0_i32, %c0_i32_0 : i32, i32
  }
  func.func @transform_11(%arg0: i32) -> (i32, i32) {
    %c0_i32 = arith.constant 0 : i32
    %c0_i32_0 = arith.constant 0 : i32
    %c0_i32_1 = arith.constant 0 : i32
    return %c0_i32, %c0_i32_0 : i32, i32
  }
  func.func @transform_12(%arg0: i32) -> (i32, i32) {
    %c0_i32 = arith.constant 0 : i32
    %c0_i32_0 = arith.constant 0 : i32
    %c0_i32_1 = arith.constant 0 : i32
    return %c0_i32, %c0_i32_0 : i32, i32
  }
  func.func @transform_13(%arg0: i32) -> (i32, i32) {
    %c0_i32 = arith.constant 0 : i32
    %c0_i32_0 = arith.constant 0 : i32
    %c0_i32_1 = arith.constant 0 : i32
    return %c0_i32, %c0_i32_0 : i32, i32
  }
  func.func @transform_14(%arg0: i32) -> (i32, i32) {
    %c0_i32 = arith.constant 0 : i32
    %c0_i32_0 = arith.constant 0 : i32
    %c0_i32_1 = arith.constant 0 : i32
    return %c0_i32, %c0_i32_0 : i32, i32
  }
  func.func @transform_15(%arg0: i32) -> (i32, i32) {
    %c0_i32 = arith.constant 0 : i32
    %c0_i32_0 = arith.constant 0 : i32
    %c0_i32_1 = arith.constant 0 : i32
    return %c0_i32, %c0_i32_0 : i32, i32
  }
  func.func @transform_16(%arg0: i32) -> (i32, i32) {
    %c0_i32 = arith.constant 0 : i32
    %c0_i32_0 = arith.constant 0 : i32
    %c0_i32_1 = arith.constant 0 : i32
    return %c0_i32, %c0_i32_0 : i32, i32
  }
  func.func @transform_17(%arg0: i32) -> (i32, i32) {
    %c0_i32 = arith.constant 0 : i32
    %c0_i32_0 = arith.constant 0 : i32
    %c0_i32_1 = arith.constant 0 : i32
    return %c0_i32, %c0_i32_0 : i32, i32
  }
  func.func @transform_18(%arg0: i32) -> (i32, i32) {
    %c0_i32 = arith.constant 0 : i32
    %c0_i32_0 = arith.constant 0 : i32
    %c0_i32_1 = arith.constant 0 : i32
    return %c0_i32, %c0_i32_0 : i32, i32
  }
}

</mosaic_0001>

<sc_bundles>
// kernel: kernel.12.cloned.1.call-start
scs
__scs_entry_jumppad:
0x0: {  	(pc) =	sbr.rel $0x88, $3  }
0x1: {  	(tag) =	ssettag $0x0;
	lr =	simm.s32 $0x1  }
0x2: {  	[smem:$0x3F8C] =	sst lr;
	_ =	strace $0xD0000000  }
0x3: {  	_ = 	snop  }
0x4: {  	_ = 	snop  }
0x5: {  	_ = 	snop  }
0x6: {  	_ = 	snop  }
0x7: {  	_ = 	snop  }
__scs_overlays_trampoline_lowered:
0x8: {  	[smem:$0x3F9B] =	sst s0  }
0x9: {  	[smem:$0x3F9C] =	sst s1  }
0xa: {  	[smem:$0x3F9D] =	sst s2  }
0xb: {  	[smem:$0x3F9E] =	sst s3  }
0xc: {  	[smem:$0x3F9F] =	sst s4  }
0xd: {  	[smem:$0x3FA0] =	sst s5  }
0xe: {  	[smem:$0x3FA1] =	sst s6  }
0xf: {  	[smem:$0x3FA2] =	sst s7  }
0x10: {  	[smem:$0x3FA3] =	sst s8  }
0x11: {  	[smem:$0x3FA4] =	sst s9;
	s0 =	simm.s32 @!p0 $0x0  }
0x12: {  	s1 =	sld [smem:$0x3F8A];
	s0 =	simm.s32 @p0 $0x1  }
0x13: {  	[smem:$0x3FA5] =	sst s0;
	s0 =	simm.s32 @!p1 $0x0  }
0x14: {  	s2 =	sld [smem:$0x3F89];
	s0 =	simm.s32 @p1 $0x1  }
0x15: {  	[smem:$0x3FA6] =	sst s0;
	s0 =	simm.s32 @!p2 $0x0  }
0x16: {  	s3 =	sld [smem:$0x3FDB];
	s0 =	simm.s32 @p2 $0x1  }
0x17: {  	s4 =	simm.s32 $0x1BF5;
	[smem:$0x3FA8] =	sst s0  }
0x18: {  	s0 =	sld [smem:$0x3F8B];
	_ =	swait.ge [sflag:s4], $0x0  }
0x19: {  	s7 =	sld [smem:$0x3F8C]  }
0x1a: {  	s8 =	sadd.s32 $0xFFFFE003, lr  }
0x1b: {  	s9 =	sadd.s32 $0xFFFFFEF7, lr;
	s5 =	simm.s32 $0xFFFFFFFF;
	p2 =	slt.u32 s8, $0xFFFFF086  }
0x1c: {  	p1 =	slt.u32 s9, $0xF7A;
	s5 =	simm.s32 @!p2 $0x0  }
0x1d: {  	s5 =	simm.s32 @p1 $0x1;
	p0 =	seq.s32 s7, s2  }
0x1e: {  	s7 =	smul.u32 @!p0 $0xF7A, s2;
	p2 =	seq.s32 @!p0 s5, $0x0  }
0x1f: {  	s9 =	smul.u32 $0xF7A, s1;
	s8 =	simm.s32 @!p0 $0x1BF5;
	p2 =	por !p2, p0  }
0x20: {  	[sflag:s8] =	ssyncset.s32 @!p0 $0xFFFFF086;
	s6 =	sadd.s32 @!p0 s3, s7;
	s7 =	simm.s32 @!p0 $0x108  }
0x21: {  	s3 =	sadd.s32 s3, s9;
	s6 =	sadd.s32 @!p0 $0x88, s6;
	s7 =	simm.s32 @p2 $0x1082  }
0x22: {  	[simem:s7], [sflag:s8] =	dma.local @!p0 [hbm:s6], $0xF7A  }
0x23: {  	s9 =	sor.u32 $0xD0000000, s2;
	s6 =	simm.s32 $0x108;
	_ =	swait.ge @!p0 [sflag:s8], $0x0  }
0x24: {  	s3 =	sadd.s32 $0x88, s3;
	s6 =	simm.s32 @!p1 $0x1082;
	[sflag:s4] =	ssyncset.s32 $0xFFFFF086  }
0x25: {  	[simem:s6], [sflag:s4] =	dma.local [hbm:s3], $0xF7A  }
0x26: {  	[smem:$0x3F8C] =	sst s1;
	(tag) =	ssettag s2;
	_ =	strace s9  }
0x27: {  	s1 =	sld [smem:$0x3F9C]  }
0x28: {  	s2 =	sld [smem:$0x3F9D]  }
0x29: {  	s4 =	sld [smem:$0x3F9F]  }
0x2a: {  	p0 =	seq.s32 s5, $0x0;
	s5 =	sld [smem:$0x3FA0]  }
0x2b: {  	s6 =	sld [smem:$0x3FA1]  }
0x2c: {  	s7 =	sld [smem:$0x3FA2]  }
0x2d: {  	s3 =	simm.s32 $0x108;
	s8 =	sld [smem:$0x3FA3]  }
0x2e: {  	s3 =	simm.s32 @!p0 $0x1082;
	s9 =	sld [smem:$0x3FA4]  }
0x2f: {  	lr =	sadd.s32 s0, s3;
	s0 =	sld [smem:$0x3F9B]  }
0x30: {  	s3 =	sld [smem:$0x3F9E]  }
0x31: {  	[smem:$0x3FA7] =	sst s10  }
0x32: {  	s10 =	sld [smem:$0x3FA5];
	_ =	sdelay $0x3  }
0x33: {  	p0 =	seq.s32 s10, $0x1;
	s10 =	sld [smem:$0x3FA7];
	_ =	sdelay $0x3  }
0x34: {  	[smem:$0x3FA7] =	sst s10  }
0x35: {  	s10 =	sld [smem:$0x3FA6];
	_ =	sdelay $0x3  }
0x36: {  	p1 =	seq.s32 s10, $0x1;
	s10 =	sld [smem:$0x3FA7];
	_ =	sdelay $0x3  }
0x37: {  	[smem:$0x3FA7] =	sst s10  }
0x38: {  	s10 =	sld [smem:$0x3FA8]  }
0x39: {  	_ = 	snop;
	(pc) =	sbr.ind lr, $3  }
0x3a: {  	_ = 	snop  }
0x3b: {  	_ = 	snop  }
0x3c: {  	p2 =	seq.s32 s10, $0x1;
	s10 =	sld [smem:$0x3FA7]  }
0x3d: {  	_ =	shalt  }
0x3e: {  	_ =	shalt  }
0x3f: {  	_ =	shalt  }
0x40: {  	_ =	shalt  }
0x41: {  	_ =	shalt  }
0x42: {  	_ =	shalt  }
0x43: {  	_ =	shalt  }
0x44: {  	_ =	shalt  }
0x45: {  	_ =	shalt  }
0x46: {  	_ =	shalt  }
0x47: {  	_ =	shalt  }
0x48: {  	_ =	shalt  }
0x49: {  	_ =	shalt  }
0x4a: {  	_ =	shalt  }
0x4b: {  	_ =	shalt  }
0x4c: {  	_ =	shalt  }
0x4d: {  	_ =	shalt  }
0x4e: {  	_ =	shalt  }
0x4f: {  	_ =	shalt  }
0x50: {  	_ =	shalt  }
0x51: {  	_ =	shalt  }
0x52: {  	_ =	shalt  }
0x53: {  	_ =	shalt  }
0x54: {  	_ =	shalt  }
0x55: {  	_ =	shalt  }
0x56: {  	_ =	shalt  }
0x57: {  	_ =	shalt  }
0x58: {  	_ =	shalt  }
0x59: {  	_ =	shalt  }
0x5a: {  	_ =	shalt  }
0x5b: {  	_ =	shalt  }
0x5c: {  	_ =	shalt  }
0x5d: {  	_ =	shalt  }
0x5e: {  	_ =	shalt  }
0x5f: {  	_ =	shalt  }
0x60: {  	_ =	shalt  }
0x61: {  	_ =	shalt  }
0x62: {  	_ =	shalt  }
0x63: {  	_ =	shalt  }
0x64: {  	_ =	shalt  }
0x65: {  	_ =	shalt  }
0x66: {  	_ =	shalt  }
0x67: {  	_ =	shalt  }
0x68: {  	_ =	shalt  }
0x69: {  	_ =	shalt  }
0x6a: {  	_ =	shalt  }
0x6b: {  	_ =	shalt  }
0x6c: {  	_ =	shalt  }
0x6d: {  	_ =	shalt  }
0x6e: {  	_ =	shalt  }
0x6f: {  	_ =	shalt  }
0x70: {  	_ =	shalt  }
0x71: {  	_ =	shalt  }
0x72: {  	_ =	shalt  }
0x73: {  	_ =	shalt  }
0x74: {  	_ =	shalt  }
0x75: {  	_ =	shalt  }
0x76: {  	_ =	shalt  }
0x77: {  	_ =	shalt  }
0x78: {  	_ =	shalt  }
0x79: {  	_ =	shalt  }
0x7a: {  	_ =	shalt  }
0x7b: {  	_ =	shalt  }
0x7c: {  	_ =	shalt  }
0x7d: {  	_ =	shalt  }
0x7e: {  	_ =	shalt  }
0x7f: {  	_ =	shalt  }
0x80: {  	_ =	shalt  }
0x81: {  	_ =	shalt  }
0x82: {  	_ =	shalt  }
0x83: {  	_ =	shalt  }
0x84: {  	_ =	shalt  }
0x85: {  	_ =	shalt  }
0x86: {  	_ =	shalt  }
0x87: {  	_ =	shalt  }
.Lfunc_end0:
.L_simem_size_0:
called_computation.1_lowered:
.L_overlay_start_0:
0x88: {  	s2 =	sld [smem:$0x3FD9]  }
0x89: {  	s3 =	sld [smem:$0x3FFE];
	_ =	sdelay $0x1  }
0x8a: {  	s1 =	srdreg.scid  }
0x8b: {  	s0 =	sand.u32 $0x1, s1  }
0x8c: {  	s16 =	sshll.u32 s0, $0xA;
	s2 =	sadd.s32 s3, s2  }
0x8d: {  	s2 =	sadd.s32 s2, s16  }
0x8e: {  	[smem:$0x3FB3] =	sst s2  }
0x8f: {  	_ = 	snop  }
0x90: {  	(tm) =	ssettm $0x1  }
0x91: {  	s17 =	sld [smem:$0x3FFB];
	_ =	sdelay $0x3  }
0x92: {  	_ =	strace s17  }
0x93: {  	s2 =	sld [smem:$0x3FFC];
	_ =	sdelay $0x3  }
0x94: {  	_ =	strace s2  }
0x95: {  	s2 =	sld [smem:$0x3FFD];
	_ =	sdelay $0x3  }
0x96: {  	_ =	strace s2  }
0x97: {  	_ =	strace $0x8FFFFFFF  }
0x98: {  	s18 =	sld [smem:$0x3FDB];
	_ =	sdelay $0x1  }
0x99: {  	s19 =	simm.s32 $_scs_section_size  }
0x9a: {  	s4 =	simm.s32 $_size__tile_overlayer_lowered;
	s5 =	simm.s32 $_tile_overlayer_lowered  }
0x9b: {  	s22 =	simm.s32 $0x1BFF;
	s21 =	sshll.u32 s5, $0x1;
	s2 =	sadd.s32 s19, s18  }
0x9c: {  	s6 =	simm.s32 $0x0;
	s20 =	sshll.u32 s4, $0x1;
	s4 =	sadd.s32 s21, s2  }
0x9d: {  	[timem:s6], [sflag:s22] =	dma.local [hbm:s4], s20  }
0x9e: {  	_ =	swait.ge [sflag:s22], s20  }
0x9f: {  	s3 =	ssub.s32 $0x0, s20;
	[sflag:s22] =	ssyncset.done $0x0  }
0xa0: {  	[sflag:s22] =	ssyncadd.s32 s3;
	_ =	sdelay $0x1  }
0xa1: {  	s23 =	simm.s32 $0x1B8B  }
0xa2: {  	_ =	swait.ge [sflag:s23], $0x1  }
0xa3: {  	[sflag:s23] =	ssyncset.done $0x0  }
0xa4: {  	s25 =	simm.s32 $0x1B8E;
	s24 =	sld [smem:$0x3FFE];
	[sflag:s23] =	ssyncadd.s32 $0xFFFFFFFF  }
0xa5: {  	s26 =	simm.s32 $execute0_lowered;
	[smem:$0x3FD2] =	sst s25  }
0xa6: {  	s4 =	sshll.u32 s26, $0x1;
	_ =	strace $0x80000049;
	[dreg:$0x1] =	wrdreg $0xFFFFFFFF  }
0xa7: {  	s28 =	simm.s32 $_size_execute0_lowered;
	s2 =	sadd.s32 s2, s4;
	[dreg:$0x0] =	wrdreg $0x0  }
0xa8: {  	s4 =	sshll.u32 s28, $0x1;
	[dreg:$0x2] =	wrdreg s2  }
0xa9: {  	[dreg:$0x3] =	wrdreg s4  }
0xaa: {  	[dreg:$0x4] =	wrdreg $0xC0  }
0xab: {  	_ =	task [dreg:s6], $0x5FFFF  }
0xac: {  	[dreg:$0x1] =	wrdreg $0xFFFFFFFF  }
0xad: {  	[dreg:$0x0] =	wrdreg $0x60  }
0xae: {  	[dreg:$0x2] =	wrdreg s24  }
0xaf: {  	[dreg:$0x3] =	wrdreg $0xB7800  }
0xb0: {  	[dreg:$0x4] =	wrdreg $0x9  }
0xb1: {  	_ =	task.clear_ibuf [dreg:s6], $0x5FFFF;
	_ =	strace $0x90000049  }
0xb2: {  	s29 =	simm.s32 $0x9;
	_ =	strace $0x8000004B  }
0xb3: {  	_ =	swait.ge [sflag:s29], $0x1  }
0xb4: {  	[sflag:s29] =	ssyncadd.s32 $0xFFFFFFFF  }
0xb5: {  	_ =	strace $0x9000004B  }
0xb6: {  	_ =	sfence  }
0xb7: {  	s30 =	sld [smem:$0x0];
	_ =	sdelay $0x2  }
0xb8: {  	s31 =	sshll.u32 s1, $0xD;
	s1 =	sshrl.u32 s1, $0x2  }
0xb9: {  	s3 =	sand.u32 $0x4000, s31;
	s1 =	sadd.s32 s1, s30  }
0xba: {  	s0 =	sor.u32 s3, s0;
	s1 =	sshll.u32 s1, $0x11  }
0xbb: {  	s0 =	sor.u32 s1, s0  }
0xbc: {  	s0 =	sadd.s32 $0x8F2B, s0  }
0xbd: {  	[sflag:s0] =	ssyncadd.remote.s32 $0x1  }
0xbe: {  	_ =	sfence.sel $0xFFFF  }
0xbf: {  	[dreg:$0x0] =	wrdreg $0xFFFFFFFF;
	(pc) =	sbr.abs _section_cstart, $3  }
0xc0: {  	[dreg:$0x1] =	wrdreg $0xFFFFFFFF  }
0xc1: {  	_ =	task.clear_ibuf [dreg:s6], $0x2FFFF;
	_ =	strace $0x9FFFFFFF  }
0xc2: {  	(tm) =	ssettm $0x7FFFFFFF  }
0xc3: {  	_ =	shalt  }
tec
execute0_lowered:
.L_overlay_start_1:
0x0: {  	(tag) =	ssettag $0x1  }
0x1: {  	s1 =	srdreg.scid  }
0x2: {  	s0 =	stileid.u32;
	s7 =	rddreg [dreg:$0x0]  }
0x3: {  	s2 =	rddreg [dreg:$0x1];
	s3 =	simm.s32 $0x0;
	s14 =	simm.s32 $0x40  }
0x4: {  	s15 =	simm.s32 $0x7780;
	s16 =	simm.s32 $0x9780;
	s17 =	simm.s32 $0x1  }
0x5: {  	s18 =	simm.s32 $0x4;
	s19 =	simm.s32 $0x2;
	s20 =	simm.s32 $0x7480  }
0x6: {  	s21 =	simm.s32 $0x7500;
	s23 =	simm.s32 $0x0;
	s6 =	sand.u32 $0x1, s1  }
0x7: {  	s26 =	sshll.u32 s0, $0x1;
	s1 =	rddreg [dreg:$0x2];
	s9 =	smul.u32 $0x14000, s0  }
0x8: {  	[smem:$0x7FF] =	sst s3;
	s30 =	smul.u32 $0x50000, s0;
	s22 =	sshll.u32 s0, $0x6  }
0x9: {  	p0 =	sgt.u32 s0, $0x3;
	s4 =	sor.u32 s6, s26;
	s8 =	smul.u32 $0x140000, s6  }
0xa: {  	_ =	strace $0x8000004A;
	s6 =	ssub.s32 $0x2, s6;
	s5 =	smul.u32 $0x4E8, s4  }
0xb: {  	s10 =	smul.u32 $0xA00, s4;
	s4 =	sadd.s32 $0x22200, s7;
	s31 =	sshrl.u32 s6, $0x1  }
0xc: {  	s28 =	sadd.s32 s9, s8;
	s12 =	ssub.s32 s6, s31;
	s6 =	sor.u32 $0x1C03, s22  }
0xd: {  	s22 =	sor.u32 $0x1C04, s22;
	s11 =	sadd.s32 s5, s7;
	s29 =	sadd.s32 s10, s7  }
0xe: {  	s9 =	sshrl.u32 s28, $0x3;
	s5 =	sadd.s32 $0x97600, s7;
	s10 =	sshrl.u32 s30, $0x2  }
0xf: {  	s9 =	sadd.s32 s9, s7;
	s13 =	sadd.s32 s10, s2;
	s7 =	sadd.s32 $0x4400, s11  }
0x10: {  	s8 =	sadd.s32 $0xE200, s29;
	s10 =	smax.u32 s12, $0x1;
	s12 =	simm.s32 $0x2780  }
0x11: {  	s9 =	sadd.s32 $0x99E00, s9;
	s11 =	sshrl.u32 s13, $0x3;
	s13 =	simm.s32 $0x3  }
.LBB2_1:
0x12: {  	[spmem:s11], [sflag:s6] =	dma.local [hbm:s5], $0x2800  }
0x13: {  	[tilespmem:s3], [sflag:$0x3] =	stream.linear.gather [hbm4b:s7+s3], $0x2740, $0x38;
	[tilespmem:$0x1F780] =	vst v63  }
0x14: {  	_ = 	snop  }
0x15: {  	[tilespmem:s12], [sflag:$0x3] =	stream.linear.gather [hbm4b:s8+s3], $0x4E80, $0x38;
	[tilespmem:$0x1F780] =	vst v63  }
0x16: {  	_ =	swait.ge [sflag:s13], $0x2800  }
0x17: {  	[sflag:s13] =	ssyncset.done $0x0  }
0x18: {  	[sflag:s13] =	ssyncadd.s32 $0xFFFFD800  }
0x19: {  	_ =	swait.ge [sflag:s13], $0x2740  }
0x1a: {  	[sflag:s13] =	ssyncset.done $0x0  }
0x1b: {  	[sflag:s13] =	ssyncadd.s32 $0xFFFFD8C0  }
0x1c: {  	_ =	swait.ge [sflag:s13], $0x4E80  }
0x1d: {  	[sflag:s13] =	ssyncset.done $0x0  }
0x1e: {  	[sflag:s13] =	ssyncadd.s32 $0xFFFFB180  }
0x1f: {  	[bflag:$0x0] =	sbarrier.arrive $0xFFFF  }
0x20: {  	[tilespmem:s15], [sflag:$0x1] =	stream.indirect.gather [hbm4b:s4+s14], $0x80, s3, s14, $0xb8;
	[tilespmem:$0x1F780] =	vst v63  }
0x21: {  	_ = 	snop  }
0x22: {  	[tilespmem:s16], [sflag:$0x2] =	stream.indirect.gather [hbm4b:s4+s14], $0x80, s14, s14, $0xb8;
	[tilespmem:$0x1F780] =	vst v63  }
0x23: {  	_ =	swait.ge [sflag:s17], $0x2000  }
0x24: {  	[sflag:s17] =	ssyncset.done $0x0  }
0x25: {  	s24 =	simm.s32 $0x2780;
	[sflag:s17] =	ssyncadd.s32 $0xFFFFE000  }
0x26: {  	[spmem:s2] =	stream.indirect.scatter.add.f32 [tilespmem:s15], [sflag:$0x4], $0x80, s24, s14, $0xb8;
	[tilespmem:$0x1F780] =	vst v63  }
0x27: {  	_ =	swait.ge [sflag:s18], $0x2000  }
0x28: {  	[sflag:s18] =	ssyncset.done $0x0  }
0x29: {  	s30 =	simm.s32 $0x80;
	[sflag:s18] =	ssyncadd.s32 $0xFFFFE000  }
0x2a: {  	[tilespmem:s15], [sflag:$0x1] =	stream.indirect.gather [hbm4b:s4+s14], $0x80, s30, s14, $0xb8;
	[tilespmem:$0x1F780] =	vst v63  }
0x2b: {  	_ =	swait.ge [sflag:s19], $0x2000  }
0x2c: {  	[sflag:s19] =	ssyncset.done $0x0  }
0x2d: {  	s31 =	simm.s32 $0x2800;
	[sflag:s19] =	ssyncadd.s32 $0xFFFFE000  }
0x2e: {  	[spmem:s2] =	stream.indirect.scatter.add.f32 [tilespmem:s16], [sflag:$0x4], $0x80, s31, s14, $0xb8;
	[tilespmem:$0x1F780] =	vst v63  }
0x2f: {  	_ =	swait.ge [sflag:s18], $0x2000  }
0x30: {  	s25 =	simm.s32 $0x400;
	[sflag:s18] =	ssyncset.done $0x0  }
0x31: {  	s26 =	simm.s32 $0x140;
	s24 =	simm.s32 $0xC0;
	[sflag:s18] =	ssyncadd.s32 $0xFFFFE000  }
.LBB2_2:
0x32: {  	[tilespmem:s16], [sflag:$0x2] =	stream.indirect.gather [hbm4b:s4+s14], $0x80, s24, s14, $0xb8;
	[tilespmem:$0x1F780] =	vst v63  }
0x33: {  	s28 =	smov.u32 s25;
	s24 =	smov.u32 s26  }
0x34: {  	p1 =	sne.s32 s25, $0x13000;
	s25 =	sadd.s32 $0x400, s25;
	_ =	swait.ge [sflag:s17], $0x2000  }
0x35: {  	s28 =	sshra.s32 s28, $0x2;
	[sflag:s17] =	ssyncset.done $0x0  }
0x36: {  	s29 =	sadd.s32 $0x2780, s28;
	[sflag:s17] =	ssyncadd.s32 $0xFFFFE000  }
0x37: {  	[spmem:s2] =	stream.indirect.scatter.add.f32 [tilespmem:s15], [sflag:$0x4], $0x80, s29, s14, $0xb8;
	[tilespmem:$0x1F780] =	vst v63  }
0x38: {  	_ =	swait.ge [sflag:s18], $0x2000  }
0x39: {  	[sflag:s18] =	ssyncset.done $0x0  }
0x3a: {  	s29 =	sadd.s32 $0xFFFFFFC0, s26;
	[sflag:s18] =	ssyncadd.s32 $0xFFFFE000  }
0x3b: {  	[tilespmem:s15], [sflag:$0x1] =	stream.indirect.gather [hbm4b:s4+s14], $0x80, s29, s14, $0xb8;
	[tilespmem:$0x1F780] =	vst v63  }
0x3c: {  	_ =	swait.ge [sflag:s19], $0x2000  }
0x3d: {  	[sflag:s19] =	ssyncset.done $0x0  }
.Ltmp0:
0x3e: {  	s28 =	sadd.s32 $0x2800, s28;
	[sflag:s19] =	ssyncadd.s32 $0xFFFFE000;
	(pc) =	sbr.rel @p1 .LBB2_2-.Ltmp0, $4  }
0x3f: {  	[spmem:s2] =	stream.indirect.scatter.add.f32 [tilespmem:s16], [sflag:$0x4], $0x80, s28, s14, $0xb8;
	[tilespmem:$0x1F780] =	vst v63  }
0x40: {  	_ =	swait.ge [sflag:s18], $0x2000  }
0x41: {  	[sflag:s18] =	ssyncset.done $0x0  }
0x42: {  	s26 =	sadd.s32 $0x80, s26;
	[sflag:s18] =	ssyncadd.s32 $0xFFFFE000  }
0x43: {  	[tilespmem:s16], [sflag:$0x2] =	stream.indirect.gather [hbm4b:s4+s14], $0x80, s24, s14, $0xb8;
	[tilespmem:$0x1F780] =	vst v63  }
0x44: {  	_ =	swait.ge [sflag:s17], $0x2000  }
0x45: {  	[sflag:s17] =	ssyncset.done $0x0  }
0x46: {  	[sflag:s17] =	ssyncadd.s32 $0xFFFFE000  }
0x47: {  	[spmem:s2] =	stream.indirect.scatter.add.f32 [tilespmem:s15], [sflag:$0x4], $0x80, s20, s14, $0xb8;
	[tilespmem:$0x1F780] =	vst v63  }
0x48: {  	_ =	swait.ge [sflag:s18], $0x2000  }
0x49: {  	[sflag:s18] =	ssyncset.done $0x0  }
0x4a: {  	[sflag:s18] =	ssyncadd.s32 $0xFFFFE000  }
0x4b: {  	_ =	swait.ge [sflag:s19], $0x2000  }
0x4c: {  	[sflag:s19] =	ssyncset.done $0x0  }
0x4d: {  	[sflag:s19] =	ssyncadd.s32 $0xFFFFE000  }
0x4e: {  	[spmem:s2] =	stream.indirect.scatter.add.f32 [tilespmem:s16], [sflag:$0x4], $0x80, s21, s14, $0xb8;
	[tilespmem:$0x1F780] =	vst v63  }
0x4f: {  	_ =	swait.ge [sflag:s18], $0x2000  }
0x50: {  	s24 =	simm.s32 @!p0 $0x40;
	[sflag:s18] =	ssyncset.done $0x0  }
0x51: {  	s25 =	simm.s32 @!p0 $0x2700;
	s26 =	simm.s32 @!p0 $0x7780;
	[sflag:s18] =	ssyncadd.s32 $0xFFFFE000  }
0x52: {  	[tilespmem:s26], [sflag:$0x4] =	stream.indirect.gather @!p0 [hbm4b:s4+s24], $0x80, s25, s24, $0xb8;
	[tilespmem:$0x1F780] =	vst v63  }
0x53: {  	s25 =	simm.s32 @!p0 $0x4  }
0x54: {  	_ =	swait.ge @!p0 [sflag:s25], $0x2000  }
0x55: {  	[sflag:s25] =	ssyncset.done @!p0 $0x0  }
0x56: {  	s28 =	simm.s32 @!p0 $0x7580;
	[sflag:s25] =	ssyncadd.s32 @!p0 $0xFFFFE000  }
0x57: {  	[spmem:s2] =	stream.indirect.scatter.add.f32 @!p0 [tilespmem:s26], [sflag:$0x4], $0x80, s28, s24, $0xb8;
	[tilespmem:$0x1F780] =	vst v63  }
0x58: {  	_ =	swait.ge @!p0 [sflag:s25], $0x2000  }
0x59: {  	s23 =	sadd.s32 $0x1, s23;
	[sflag:s25] =	ssyncset.done @!p0 $0x0  }
0x5a: {  	p1 =	sne.s32 s23, s10;
	[sflag:s25] =	ssyncadd.s32 @!p0 $0xFFFFE000  }
.Ltmp1:
0x5b: {  	[bflag:$0x0] =	sbarrier.arrive $0xFFFF;
	(pc) =	sbr.rel @p1 .LBB2_1-.Ltmp1, $4  }
0x5c: {  	[hbm:s9], [sflag:s22] =	dma.local [spmem:s11], $0x2800  }
0x5d: {  	_ =	swait.ge [sflag:s18], $0x2800  }
0x5e: {  	[sflag:s18] =	ssyncset.done $0x0  }
0x5f: {  	[sflag:s18] =	ssyncadd.s32 $0xFFFFD800  }
0x60: {  	_ =	sfence.sel $0x180000  }
0x61: {  	[bflag:$0x0] =	sbarrier.arrive $0xFFFF  }
0x62: {  	p0 =	sne.s32 s0, $0x0;
	_ =	strace $0x9000004A  }
0x63: {  	s0 =	sadd.s32 @!p0 $0x100000, s1;
	[bflag:$0x2] =	sbarrier.arrive $0xFFFF  }
0x64: {  	[sflag:s0] =	ssyncadd.tile.s32 @!p0 $0x1;
	_ =	shalt  }
.Lfunc_end2:
_tile_overlayer_lowered:
.L_overlay_start_2:
0x65: {  	(tag) =	ssettag $0x2  }
0x66: {  	s0 =	rddreg [dreg:$0x0];
	s2 =	stileid.u32  }
0x67: {  	s1 =	rddreg [dreg:$0x1];
	p0 =	sne.s32 s2, $0x0  }
0x68: {  	s3 =	rddreg [dreg:$0x2];
	[bflag:$0x3] =	sbarrier.arrive $0xFFFF;
	s2 =	simm.s32 @!p0 $0x1C04  }
0x69: {  	[timem:s3], [sflag:s2] =	dma.local @!p0 [hbm:s0], s1  }
0x6a: {  	s0 =	simm.s32 @!p0 $0x4  }
0x6b: {  	_ =	swait.ge @!p0 [sflag:s0], s1  }
0x6c: {  	s1 =	ssub.s32 @!p0 $0x0, s1;
	[sflag:s0] =	ssyncset.done @!p0 $0x0  }
0x6d: {  	[sflag:s0] =	ssyncadd.s32 @!p0 s1  }
0x6e: {  	[bflag:$0x3] =	sbarrier.arrive $0xFFFF  }
0x6f: {  	_ =	shalt  }

// kernel: kernel.15.cloned.1.call-start
scs
__scs_entry_jumppad:
0x0: {  	(pc) =	sbr.rel $0x88, $3  }
0x1: {  	(tag) =	ssettag $0x0;
	lr =	simm.s32 $0x1  }
0x2: {  	[smem:$0x3F8C] =	sst lr;
	_ =	strace $0xD0000000  }
0x3: {  	_ = 	snop  }
0x4: {  	_ = 	snop  }
0x5: {  	_ = 	snop  }
0x6: {  	_ = 	snop  }
0x7: {  	_ = 	snop  }
__scs_overlays_trampoline_lowered:
0x8: {  	[smem:$0x3F9B] =	sst s0  }
0x9: {  	[smem:$0x3F9C] =	sst s1  }
0xa: {  	[smem:$0x3F9D] =	sst s2  }
0xb: {  	[smem:$0x3F9E] =	sst s3  }
0xc: {  	[smem:$0x3F9F] =	sst s4  }
0xd: {  	[smem:$0x3FA0] =	sst s5  }
0xe: {  	[smem:$0x3FA1] =	sst s6  }
0xf: {  	[smem:$0x3FA2] =	sst s7  }
0x10: {  	[smem:$0x3FA3] =	sst s8  }
0x11: {  	[smem:$0x3FA4] =	sst s9;
	s0 =	simm.s32 @!p0 $0x0  }
0x12: {  	s1 =	sld [smem:$0x3F8A];
	s0 =	simm.s32 @p0 $0x1  }
0x13: {  	[smem:$0x3FA5] =	sst s0;
	s0 =	simm.s32 @!p1 $0x0  }
0x14: {  	s2 =	sld [smem:$0x3F89];
	s0 =	simm.s32 @p1 $0x1  }
0x15: {  	[smem:$0x3FA6] =	sst s0;
	s0 =	simm.s32 @!p2 $0x0  }
0x16: {  	s3 =	sld [smem:$0x3FDB];
	s0 =	simm.s32 @p2 $0x1  }
0x17: {  	s4 =	simm.s32 $0x1BF5;
	[smem:$0x3FA8] =	sst s0  }
0x18: {  	s0 =	sld [smem:$0x3F8B];
	_ =	swait.ge [sflag:s4], $0x0  }
0x19: {  	s7 =	sld [smem:$0x3F8C]  }
0x1a: {  	s8 =	sadd.s32 $0xFFFFE003, lr  }
0x1b: {  	s9 =	sadd.s32 $0xFFFFFEF7, lr;
	s5 =	simm.s32 $0xFFFFFFFF;
	p2 =	slt.u32 s8, $0xFFFFF086  }
0x1c: {  	p1 =	slt.u32 s9, $0xF7A;
	s5 =	simm.s32 @!p2 $0x0  }
0x1d: {  	s5 =	simm.s32 @p1 $0x1;
	p0 =	seq.s32 s7, s2  }
0x1e: {  	s7 =	smul.u32 @!p0 $0xF7A, s2;
	p2 =	seq.s32 @!p0 s5, $0x0  }
0x1f: {  	s9 =	smul.u32 $0xF7A, s1;
	s8 =	simm.s32 @!p0 $0x1BF5;
	p2 =	por !p2, p0  }
0x20: {  	[sflag:s8] =	ssyncset.s32 @!p0 $0xFFFFF086;
	s6 =	sadd.s32 @!p0 s3, s7;
	s7 =	simm.s32 @!p0 $0x108  }
0x21: {  	s3 =	sadd.s32 s3, s9;
	s6 =	sadd.s32 @!p0 $0x88, s6;
	s7 =	simm.s32 @p2 $0x1082  }
0x22: {  	[simem:s7], [sflag:s8] =	dma.local @!p0 [hbm:s6], $0xF7A  }
0x23: {  	s9 =	sor.u32 $0xD0000000, s2;
	s6 =	simm.s32 $0x108;
	_ =	swait.ge @!p0 [sflag:s8], $0x0  }
0x24: {  	s3 =	sadd.s32 $0x88, s3;
	s6 =	simm.s32 @!p1 $0x1082;
	[sflag:s4] =	ssyncset.s32 $0xFFFFF086  }
0x25: {  	[simem:s6], [sflag:s4] =	dma.local [hbm:s3], $0xF7A  }
0x26: {  	[smem:$0x3F8C] =	sst s1;
	(tag) =	ssettag s2;
	_ =	strace s9  }
0x27: {  	s1 =	sld [smem:$0x3F9C]  }
0x28: {  	s2 =	sld [smem:$0x3F9D]  }
0x29: {  	s4 =	sld [smem:$0x3F9F]  }
0x2a: {  	p0 =	seq.s32 s5, $0x0;
	s5 =	sld [smem:$0x3FA0]  }
0x2b: {  	s6 =	sld [smem:$0x3FA1]  }
0x2c: {  	s7 =	sld [smem:$0x3FA2]  }
0x2d: {  	s3 =	simm.s32 $0x108;
	s8 =	sld [smem:$0x3FA3]  }
0x2e: {  	s3 =	simm.s32 @!p0 $0x1082;
	s9 =	sld [smem:$0x3FA4]  }
0x2f: {  	lr =	sadd.s32 s0, s3;
	s0 =	sld [smem:$0x3F9B]  }
0x30: {  	s3 =	sld [smem:$0x3F9E]  }
0x31: {  	[smem:$0x3FA7] =	sst s10  }
0x32: {  	s10 =	sld [smem:$0x3FA5];
	_ =	sdelay $0x3  }
0x33: {  	p0 =	seq.s32 s10, $0x1;
	s10 =	sld [smem:$0x3FA7];
	_ =	sdelay $0x3  }
0x34: {  	[smem:$0x3FA7] =	sst s10  }
0x35: {  	s10 =	sld [smem:$0x3FA6];
	_ =	sdelay $0x3  }
0x36: {  	p1 =	seq.s32 s10, $0x1;
	s10 =	sld [smem:$0x3FA7];
	_ =	sdelay $0x3  }
0x37: {  	[smem:$0x3FA7] =	sst s10  }
0x38: {  	s10 =	sld [smem:$0x3FA8]  }
0x39: {  	_ = 	snop;
	(pc) =	sbr.ind lr, $3  }
0x3a: {  	_ = 	snop  }
0x3b: {  	_ = 	snop  }
0x3c: {  	p2 =	seq.s32 s10, $0x1;
	s10 =	sld [smem:$0x3FA7]  }
0x3d: {  	_ =	shalt  }
0x3e: {  	_ =	shalt  }
0x3f: {  	_ =	shalt  }
0x40: {  	_ =	shalt  }
0x41: {  	_ =	shalt  }
0x42: {  	_ =	shalt  }
0x43: {  	_ =	shalt  }
0x44: {  	_ =	shalt  }
0x45: {  	_ =	shalt  }
0x46: {  	_ =	shalt  }
0x47: {  	_ =	shalt  }
0x48: {  	_ =	shalt  }
0x49: {  	_ =	shalt  }
0x4a: {  	_ =	shalt  }
0x4b: {  	_ =	shalt  }
0x4c: {  	_ =	shalt  }
0x4d: {  	_ =	shalt  }
0x4e: {  	_ =	shalt  }
0x4f: {  	_ =	shalt  }
0x50: {  	_ =	shalt  }
0x51: {  	_ =	shalt  }
0x52: {  	_ =	shalt  }
0x53: {  	_ =	shalt  }
0x54: {  	_ =	shalt  }
0x55: {  	_ =	shalt  }
0x56: {  	_ =	shalt  }
0x57: {  	_ =	shalt  }
0x58: {  	_ =	shalt  }
0x59: {  	_ =	shalt  }
0x5a: {  	_ =	shalt  }
0x5b: {  	_ =	shalt  }
0x5c: {  	_ =	shalt  }
0x5d: {  	_ =	shalt  }
0x5e: {  	_ =	shalt  }
0x5f: {  	_ =	shalt  }
0x60: {  	_ =	shalt  }
0x61: {  	_ =	shalt  }
0x62: {  	_ =	shalt  }
0x63: {  	_ =	shalt  }
0x64: {  	_ =	shalt  }
0x65: {  	_ =	shalt  }
0x66: {  	_ =	shalt  }
0x67: {  	_ =	shalt  }
0x68: {  	_ =	shalt  }
0x69: {  	_ =	shalt  }
0x6a: {  	_ =	shalt  }
0x6b: {  	_ =	shalt  }
0x6c: {  	_ =	shalt  }
0x6d: {  	_ =	shalt  }
0x6e: {  	_ =	shalt  }
0x6f: {  	_ =	shalt  }
0x70: {  	_ =	shalt  }
0x71: {  	_ =	shalt  }
0x72: {  	_ =	shalt  }
0x73: {  	_ =	shalt  }
0x74: {  	_ =	shalt  }
0x75: {  	_ =	shalt  }
0x76: {  	_ =	shalt  }
0x77: {  	_ =	shalt  }
0x78: {  	_ =	shalt  }
0x79: {  	_ =	shalt  }
0x7a: {  	_ =	shalt  }
0x7b: {  	_ =	shalt  }
0x7c: {  	_ =	shalt  }
0x7d: {  	_ =	shalt  }
0x7e: {  	_ =	shalt  }
0x7f: {  	_ =	shalt  }
0x80: {  	_ =	shalt  }
0x81: {  	_ =	shalt  }
0x82: {  	_ =	shalt  }
0x83: {  	_ =	shalt  }
0x84: {  	_ =	shalt  }
0x85: {  	_ =	shalt  }
0x86: {  	_ =	shalt  }
0x87: {  	_ =	shalt  }
.Lfunc_end0:
.L_simem_size_0:
called_computation.2_lowered:
.L_overlay_start_0:
0x88: {  	s2 =	sld [smem:$0x3FD9]  }
0x89: {  	s3 =	sld [smem:$0x3FFE];
	_ =	sdelay $0x1  }
0x8a: {  	s1 =	srdreg.scid  }
0x8b: {  	s0 =	sand.u32 $0x1, s1  }
0x8c: {  	s16 =	sshll.u32 s0, $0xA;
	s2 =	sadd.s32 s3, s2  }
0x8d: {  	s2 =	sadd.s32 s2, s16  }
0x8e: {  	[smem:$0x3FB3] =	sst s2  }
0x8f: {  	_ = 	snop  }
0x90: {  	(tm) =	ssettm $0x1  }
0x91: {  	s17 =	sld [smem:$0x3FFB];
	_ =	sdelay $0x3  }
0x92: {  	_ =	strace s17  }
0x93: {  	s2 =	sld [smem:$0x3FFC];
	_ =	sdelay $0x3  }
0x94: {  	_ =	strace s2  }
0x95: {  	s2 =	sld [smem:$0x3FFD];
	_ =	sdelay $0x3  }
0x96: {  	_ =	strace s2  }
0x97: {  	_ =	strace $0x8FFFFFFF  }
0x98: {  	s18 =	sld [smem:$0x3FDB];
	_ =	sdelay $0x1  }
0x99: {  	s19 =	simm.s32 $_scs_section_size  }
0x9a: {  	s4 =	simm.s32 $_size__tile_overlayer_lowered;
	s5 =	simm.s32 $_tile_overlayer_lowered  }
0x9b: {  	s22 =	simm.s32 $0x1BFF;
	s21 =	sshll.u32 s5, $0x1;
	s2 =	sadd.s32 s19, s18  }
0x9c: {  	s6 =	simm.s32 $0x0;
	s20 =	sshll.u32 s4, $0x1;
	s4 =	sadd.s32 s21, s2  }
0x9d: {  	[timem:s6], [sflag:s22] =	dma.local [hbm:s4], s20  }
0x9e: {  	_ =	swait.ge [sflag:s22], s20  }
0x9f: {  	s3 =	ssub.s32 $0x0, s20;
	[sflag:s22] =	ssyncset.done $0x0  }
0xa0: {  	[sflag:s22] =	ssyncadd.s32 s3;
	_ =	sdelay $0x1  }
0xa1: {  	s23 =	simm.s32 $0x1B8B  }
0xa2: {  	_ =	swait.ge [sflag:s23], $0x1  }
0xa3: {  	[sflag:s23] =	ssyncset.done $0x0  }
0xa4: {  	s25 =	simm.s32 $0x1B8E;
	s24 =	sld [smem:$0x3FFE];
	[sflag:s23] =	ssyncadd.s32 $0xFFFFFFFF  }
0xa5: {  	s26 =	simm.s32 $execute0_lowered;
	[smem:$0x3FD2] =	sst s25  }
0xa6: {  	s4 =	sshll.u32 s26, $0x1;
	_ =	strace $0x8000004C;
	[dreg:$0x1] =	wrdreg $0xFFFFFFFF  }
0xa7: {  	s28 =	simm.s32 $_size_execute0_lowered;
	s2 =	sadd.s32 s2, s4;
	[dreg:$0x0] =	wrdreg $0x0  }
0xa8: {  	s4 =	sshll.u32 s28, $0x1;
	[dreg:$0x2] =	wrdreg s2  }
0xa9: {  	[dreg:$0x3] =	wrdreg s4  }
0xaa: {  	[dreg:$0x4] =	wrdreg $0xC0  }
0xab: {  	_ =	task [dreg:s6], $0x5FFFF  }
0xac: {  	[dreg:$0x1] =	wrdreg $0xFFFFFFFF  }
0xad: {  	[dreg:$0x0] =	wrdreg $0x60  }
0xae: {  	[dreg:$0x2] =	wrdreg s24  }
0xaf: {  	[dreg:$0x3] =	wrdreg $0xB7800  }
0xb0: {  	[dreg:$0x4] =	wrdreg $0x9  }
0xb1: {  	_ =	task.clear_ibuf [dreg:s6], $0x5FFFF;
	_ =	strace $0x9000004C  }
0xb2: {  	s29 =	simm.s32 $0x9;
	_ =	strace $0x8000004E  }
0xb3: {  	_ =	swait.ge [sflag:s29], $0x1  }
0xb4: {  	[sflag:s29] =	ssyncadd.s32 $0xFFFFFFFF  }
0xb5: {  	_ =	strace $0x9000004E  }
0xb6: {  	_ =	sfence  }
0xb7: {  	s30 =	sld [smem:$0x0];
	_ =	sdelay $0x2  }
0xb8: {  	s31 =	sshll.u32 s1, $0xD;
	s1 =	sshrl.u32 s1, $0x2  }
0xb9: {  	s3 =	sand.u32 $0x4000, s31;
	s1 =	sadd.s32 s1, s30  }
0xba: {  	s0 =	sor.u32 s3, s0;
	s1 =	sshll.u32 s1, $0x11  }
0xbb: {  	s0 =	sor.u32 s1, s0  }
0xbc: {  	s0 =	sadd.s32 $0x8F2B, s0  }
0xbd: {  	[sflag:s0] =	ssyncadd.remote.s32 $0x1  }
0xbe: {  	_ =	sfence.sel $0xFFFF  }
0xbf: {  	[dreg:$0x0] =	wrdreg $0xFFFFFFFF;
	(pc) =	sbr.abs _section_cstart, $3  }
0xc0: {  	[dreg:$0x1] =	wrdreg $0xFFFFFFFF  }
0xc1: {  	_ =	task.clear_ibuf [dreg:s6], $0x2FFFF;
	_ =	strace $0x9FFFFFFF  }
0xc2: {  	(tm) =	ssettm $0x7FFFFFFF  }
0xc3: {  	_ =	shalt  }
tec
execute0_lowered:
.L_overlay_start_1:
0x0: {  	(tag) =	ssettag $0x1  }
0x1: {  	s1 =	srdreg.scid  }
0x2: {  	s0 =	stileid.u32;
	s7 =	rddreg [dreg:$0x0]  }
0x3: {  	s2 =	rddreg [dreg:$0x1];
	s3 =	simm.s32 $0x0;
	s14 =	simm.s32 $0x40  }
0x4: {  	s15 =	simm.s32 $0x7780;
	s16 =	simm.s32 $0x9780;
	s17 =	simm.s32 $0x1  }
0x5: {  	s18 =	simm.s32 $0x4;
	s19 =	simm.s32 $0x2;
	s20 =	simm.s32 $0x7480  }
0x6: {  	s21 =	simm.s32 $0x7500;
	s23 =	simm.s32 $0x0;
	s6 =	sand.u32 $0x1, s1  }
0x7: {  	s26 =	sshll.u32 s0, $0x1;
	s1 =	rddreg [dreg:$0x2];
	s9 =	smul.u32 $0x14000, s0  }
0x8: {  	[smem:$0x7FF] =	sst s3;
	s30 =	smul.u32 $0x50000, s0;
	s22 =	sshll.u32 s0, $0x6  }
0x9: {  	p0 =	sgt.u32 s0, $0x3;
	s4 =	sor.u32 s6, s26;
	s8 =	smul.u32 $0x140000, s6  }
0xa: {  	_ =	strace $0x8000004D;
	s6 =	ssub.s32 $0x2, s6;
	s5 =	smul.u32 $0x4E8, s4  }
0xb: {  	s10 =	smul.u32 $0xA00, s4;
	s4 =	sadd.s32 $0x22200, s7;
	s31 =	sshrl.u32 s6, $0x1  }
0xc: {  	s28 =	sadd.s32 s9, s8;
	s12 =	ssub.s32 s6, s31;
	s6 =	sor.u32 $0x1C03, s22  }
0xd: {  	s22 =	sor.u32 $0x1C04, s22;
	s11 =	sadd.s32 s5, s7;
	s29 =	sadd.s32 s10, s7  }
0xe: {  	s9 =	sshrl.u32 s28, $0x3;
	s5 =	sadd.s32 $0x97600, s7;
	s10 =	sshrl.u32 s30, $0x2  }
0xf: {  	s9 =	sadd.s32 s9, s7;
	s13 =	sadd.s32 s10, s2;
	s7 =	sadd.s32 $0x4400, s11  }
0x10: {  	s8 =	sadd.s32 $0xE200, s29;
	s10 =	smax.u32 s12, $0x1;
	s12 =	simm.s32 $0x2780  }
0x11: {  	s9 =	sadd.s32 $0x99E00, s9;
	s11 =	sshrl.u32 s13, $0x3;
	s13 =	simm.s32 $0x3  }
.LBB2_1:
0x12: {  	[spmem:s11], [sflag:s6] =	dma.local [hbm:s5], $0x2800  }
0x13: {  	[tilespmem:s3], [sflag:$0x3] =	stream.linear.gather [hbm4b:s7+s3], $0x2740, $0x38;
	[tilespmem:$0x1F780] =	vst v63  }
0x14: {  	_ = 	snop  }
0x15: {  	[tilespmem:s12], [sflag:$0x3] =	stream.linear.gather [hbm4b:s8+s3], $0x4E80, $0x38;
	[tilespmem:$0x1F780] =	vst v63  }
0x16: {  	_ =	swait.ge [sflag:s13], $0x2800  }
0x17: {  	[sflag:s13] =	ssyncset.done $0x0  }
0x18: {  	[sflag:s13] =	ssyncadd.s32 $0xFFFFD800  }
0x19: {  	_ =	swait.ge [sflag:s13], $0x2740  }
0x1a: {  	[sflag:s13] =	ssyncset.done $0x0  }
0x1b: {  	[sflag:s13] =	ssyncadd.s32 $0xFFFFD8C0  }
0x1c: {  	_ =	swait.ge [sflag:s13], $0x4E80  }
0x1d: {  	[sflag:s13] =	ssyncset.done $0x0  }
0x1e: {  	[sflag:s13] =	ssyncadd.s32 $0xFFFFB180  }
0x1f: {  	[bflag:$0x0] =	sbarrier.arrive $0xFFFF  }
0x20: {  	[tilespmem:s15], [sflag:$0x1] =	stream.indirect.gather [hbm4b:s4+s14], $0x80, s3, s14, $0xb8;
	[tilespmem:$0x1F780] =	vst v63  }
0x21: {  	_ = 	snop  }
0x22: {  	[tilespmem:s16], [sflag:$0x2] =	stream.indirect.gather [hbm4b:s4+s14], $0x80, s14, s14, $0xb8;
	[tilespmem:$0x1F780] =	vst v63  }
0x23: {  	_ =	swait.ge [sflag:s17], $0x2000  }
0x24: {  	[sflag:s17] =	ssyncset.done $0x0  }
0x25: {  	s24 =	simm.s32 $0x2780;
	[sflag:s17] =	ssyncadd.s32 $0xFFFFE000  }
0x26: {  	[spmem:s2] =	stream.indirect.scatter.add.f32 [tilespmem:s15], [sflag:$0x4], $0x80, s24, s14, $0xb8;
	[tilespmem:$0x1F780] =	vst v63  }
0x27: {  	_ =	swait.ge [sflag:s18], $0x2000  }
0x28: {  	[sflag:s18] =	ssyncset.done $0x0  }
0x29: {  	s30 =	simm.s32 $0x80;
	[sflag:s18] =	ssyncadd.s32 $0xFFFFE000  }
0x2a: {  	[tilespmem:s15], [sflag:$0x1] =	stream.indirect.gather [hbm4b:s4+s14], $0x80, s30, s14, $0xb8;
	[tilespmem:$0x1F780] =	vst v63  }
0x2b: {  	_ =	swait.ge [sflag:s19], $0x2000  }
0x2c: {  	[sflag:s19] =	ssyncset.done $0x0  }
0x2d: {  	s31 =	simm.s32 $0x2800;
	[sflag:s19] =	ssyncadd.s32 $0xFFFFE000  }
0x2e: {  	[spmem:s2] =	stream.indirect.scatter.add.f32 [tilespmem:s16], [sflag:$0x4], $0x80, s31, s14, $0xb8;
	[tilespmem:$0x1F780] =	vst v63  }
0x2f: {  	_ =	swait.ge [sflag:s18], $0x2000  }
0x30: {  	s25 =	simm.s32 $0x400;
	[sflag:s18] =	ssyncset.done $0x0  }
0x31: {  	s26 =	simm.s32 $0x140;
	s24 =	simm.s32 $0xC0;
	[sflag:s18] =	ssyncadd.s32 $0xFFFFE000  }
.LBB2_2:
0x32: {  	[tilespmem:s16], [sflag:$0x2] =	stream.indirect.gather [hbm4b:s4+s14], $0x80, s24, s14, $0xb8;
	[tilespmem:$0x1F780] =	vst v63  }
0x33: {  	s28 =	smov.u32 s25;
	s24 =	smov.u32 s26  }
0x34: {  	p1 =	sne.s32 s25, $0x13000;
	s25 =	sadd.s32 $0x400, s25;
	_ =	swait.ge [sflag:s17], $0x2000  }
0x35: {  	s28 =	sshra.s32 s28, $0x2;
	[sflag:s17] =	ssyncset.done $0x0  }
0x36: {  	s29 =	sadd.s32 $0x2780, s28;
	[sflag:s17] =	ssyncadd.s32 $0xFFFFE000  }
0x37: {  	[spmem:s2] =	stream.indirect.scatter.add.f32 [tilespmem:s15], [sflag:$0x4], $0x80, s29, s14, $0xb8;
	[tilespmem:$0x1F780] =	vst v63  }
0x38: {  	_ =	swait.ge [sflag:s18], $0x2000  }
0x39: {  	[sflag:s18] =	ssyncset.done $0x0  }
0x3a: {  	s29 =	sadd.s32 $0xFFFFFFC0, s26;
	[sflag:s18] =	ssyncadd.s32 $0xFFFFE000  }
0x3b: {  	[tilespmem:s15], [sflag:$0x1] =	stream.indirect.gather [hbm4b:s4+s14], $0x80, s29, s14, $0xb8;
	[tilespmem:$0x1F780] =	vst v63  }
0x3c: {  	_ =	swait.ge [sflag:s19], $0x2000  }
0x3d: {  	[sflag:s19] =	ssyncset.done $0x0  }
.Ltmp0:
0x3e: {  	s28 =	sadd.s32 $0x2800, s28;
	[sflag:s19] =	ssyncadd.s32 $0xFFFFE000;
	(pc) =	sbr.rel @p1 .LBB2_2-.Ltmp0, $4  }
0x3f: {  	[spmem:s2] =	stream.indirect.scatter.add.f32 [tilespmem:s16], [sflag:$0x4], $0x80, s28, s14, $0xb8;
	[tilespmem:$0x1F780] =	vst v63  }
0x40: {  	_ =	swait.ge [sflag:s18], $0x2000  }
0x41: {  	[sflag:s18] =	ssyncset.done $0x0  }
0x42: {  	s26 =	sadd.s32 $0x80, s26;
	[sflag:s18] =	ssyncadd.s32 $0xFFFFE000  }
0x43: {  	[tilespmem:s16], [sflag:$0x2] =	stream.indirect.gather [hbm4b:s4+s14], $0x80, s24, s14, $0xb8;
	[tilespmem:$0x1F780] =	vst v63  }
0x44: {  	_ =	swait.ge [sflag:s17], $0x2000  }
0x45: {  	[sflag:s17] =	ssyncset.done $0x0  }
0x46: {  	[sflag:s17] =	ssyncadd.s32 $0xFFFFE000  }
0x47: {  	[spmem:s2] =	stream.indirect.scatter.add.f32 [tilespmem:s15], [sflag:$0x4], $0x80, s20, s14, $0xb8;
	[tilespmem:$0x1F780] =	vst v63  }
0x48: {  	_ =	swait.ge [sflag:s18], $0x2000  }
0x49: {  	[sflag:s18] =	ssyncset.done $0x0  }
0x4a: {  	[sflag:s18] =	ssyncadd.s32 $0xFFFFE000  }
0x4b: {  	_ =	swait.ge [sflag:s19], $0x2000  }
0x4c: {  	[sflag:s19] =	ssyncset.done $0x0  }
0x4d: {  	[sflag:s19] =	ssyncadd.s32 $0xFFFFE000  }
0x4e: {  	[spmem:s2] =	stream.indirect.scatter.add.f32 [tilespmem:s16], [sflag:$0x4], $0x80, s21, s14, $0xb8;
	[tilespmem:$0x1F780] =	vst v63  }
0x4f: {  	_ =	swait.ge [sflag:s18], $0x2000  }
0x50: {  	s24 =	simm.s32 @!p0 $0x40;
	[sflag:s18] =	ssyncset.done $0x0  }
0x51: {  	s25 =	simm.s32 @!p0 $0x2700;
	s26 =	simm.s32 @!p0 $0x7780;
	[sflag:s18] =	ssyncadd.s32 $0xFFFFE000  }
0x52: {  	[tilespmem:s26], [sflag:$0x4] =	stream.indirect.gather @!p0 [hbm4b:s4+s24], $0x80, s25, s24, $0xb8;
	[tilespmem:$0x1F780] =	vst v63  }
0x53: {  	s25 =	simm.s32 @!p0 $0x4  }
0x54: {  	_ =	swait.ge @!p0 [sflag:s25], $0x2000  }
0x55: {  	[sflag:s25] =	ssyncset.done @!p0 $0x0  }
0x56: {  	s28 =	simm.s32 @!p0 $0x7580;
	[sflag:s25] =	ssyncadd.s32 @!p0 $0xFFFFE000  }
0x57: {  	[spmem:s2] =	stream.indirect.scatter.add.f32 @!p0 [tilespmem:s26], [sflag:$0x4], $0x80, s28, s24, $0xb8;
	[tilespmem:$0x1F780] =	vst v63  }
0x58: {  	_ =	swait.ge @!p0 [sflag:s25], $0x2000  }
0x59: {  	s23 =	sadd.s32 $0x1, s23;
	[sflag:s25] =	ssyncset.done @!p0 $0x0  }
0x5a: {  	p1 =	sne.s32 s23, s10;
	[sflag:s25] =	ssyncadd.s32 @!p0 $0xFFFFE000  }
.Ltmp1:
0x5b: {  	[bflag:$0x0] =	sbarrier.arrive $0xFFFF;
	(pc) =	sbr.rel @p1 .LBB2_1-.Ltmp1, $4  }
0x5c: {  	[hbm:s9], [sflag:s22] =	dma.local [spmem:s11], $0x2800  }
0x5d: {  	_ =	swait.ge [sflag:s18], $0x2800  }
0x5e: {  	[sflag:s18] =	ssyncset.done $0x0  }
0x5f: {  	[sflag:s18] =	ssyncadd.s32 $0xFFFFD800  }
0x60: {  	_ =	sfence.sel $0x180000  }
0x61: {  	[bflag:$0x0] =	sbarrier.arrive $0xFFFF  }
0x62: {  	p0 =	sne.s32 s0, $0x0;
	_ =	strace $0x9000004D  }
0x63: {  	s0 =	sadd.s32 @!p0 $0x100000, s1;
	[bflag:$0x2] =	sbarrier.arrive $0xFFFF  }
0x64: {  	[sflag:s0] =	ssyncadd.tile.s32 @!p0 $0x1;
	_ =	shalt  }
.Lfunc_end2:
_tile_overlayer_lowered:
.L_overlay_start_2:
0x65: {  	(tag) =	ssettag $0x2  }
0x66: {  	s0 =	rddreg [dreg:$0x0];
	s2 =	stileid.u32  }
0x67: {  	s1 =	rddreg [dreg:$0x1];
	p0 =	sne.s32 s2, $0x0  }
0x68: {  	s3 =	rddreg [dreg:$0x2];
	[bflag:$0x3] =	sbarrier.arrive $0xFFFF;
	s2 =	simm.s32 @!p0 $0x1C04  }
0x69: {  	[timem:s3], [sflag:s2] =	dma.local @!p0 [hbm:s0], s1  }
0x6a: {  	s0 =	simm.s32 @!p0 $0x4  }
0x6b: {  	_ =	swait.ge @!p0 [sflag:s0], s1  }
0x6c: {  	s1 =	ssub.s32 @!p0 $0x0, s1;
	[sflag:s0] =	ssyncset.done @!p0 $0x0  }
0x6d: {  	[sflag:s0] =	ssyncadd.s32 @!p0 s1  }
0x6e: {  	[bflag:$0x3] =	sbarrier.arrive $0xFFFF  }
0x6f: {  	_ =	shalt  }

// kernel: kernel.9.cloned.1.call-start
scs
__scs_entry_jumppad:
0x0: {  	(pc) =	sbr.rel $0x88, $3  }
0x1: {  	(tag) =	ssettag $0x0;
	lr =	simm.s32 $0x1  }
0x2: {  	[smem:$0x3F8C] =	sst lr;
	_ =	strace $0xD0000000  }
0x3: {  	_ = 	snop  }
0x4: {  	_ = 	snop  }
0x5: {  	_ = 	snop  }
0x6: {  	_ = 	snop  }
0x7: {  	_ = 	snop  }
__scs_overlays_trampoline_lowered:
0x8: {  	[smem:$0x3F9B] =	sst s0  }
0x9: {  	[smem:$0x3F9C] =	sst s1  }
0xa: {  	[smem:$0x3F9D] =	sst s2  }
0xb: {  	[smem:$0x3F9E] =	sst s3  }
0xc: {  	[smem:$0x3F9F] =	sst s4  }
0xd: {  	[smem:$0x3FA0] =	sst s5  }
0xe: {  	[smem:$0x3FA1] =	sst s6  }
0xf: {  	[smem:$0x3FA2] =	sst s7  }
0x10: {  	[smem:$0x3FA3] =	sst s8  }
0x11: {  	[smem:$0x3FA4] =	sst s9;
	s0 =	simm.s32 @!p0 $0x0  }
0x12: {  	s1 =	sld [smem:$0x3F8A];
	s0 =	simm.s32 @p0 $0x1  }
0x13: {  	[smem:$0x3FA5] =	sst s0;
	s0 =	simm.s32 @!p1 $0x0  }
0x14: {  	s2 =	sld [smem:$0x3F89];
	s0 =	simm.s32 @p1 $0x1  }
0x15: {  	[smem:$0x3FA6] =	sst s0;
	s0 =	simm.s32 @!p2 $0x0  }
0x16: {  	s3 =	sld [smem:$0x3FDB];
	s0 =	simm.s32 @p2 $0x1  }
0x17: {  	s4 =	simm.s32 $0x1BF5;
	[smem:$0x3FA8] =	sst s0  }
0x18: {  	s0 =	sld [smem:$0x3F8B];
	_ =	swait.ge [sflag:s4], $0x0  }
0x19: {  	s7 =	sld [smem:$0x3F8C]  }
0x1a: {  	s8 =	sadd.s32 $0xFFFFE003, lr  }
0x1b: {  	s9 =	sadd.s32 $0xFFFFFEF7, lr;
	s5 =	simm.s32 $0xFFFFFFFF;
	p2 =	slt.u32 s8, $0xFFFFF086  }
0x1c: {  	p1 =	slt.u32 s9, $0xF7A;
	s5 =	simm.s32 @!p2 $0x0  }
0x1d: {  	s5 =	simm.s32 @p1 $0x1;
	p0 =	seq.s32 s7, s2  }
0x1e: {  	s7 =	smul.u32 @!p0 $0xF7A, s2;
	p2 =	seq.s32 @!p0 s5, $0x0  }
0x1f: {  	s9 =	smul.u32 $0xF7A, s1;
	s8 =	simm.s32 @!p0 $0x1BF5;
	p2 =	por !p2, p0  }
0x20: {  	[sflag:s8] =	ssyncset.s32 @!p0 $0xFFFFF086;
	s6 =	sadd.s32 @!p0 s3, s7;
	s7 =	simm.s32 @!p0 $0x108  }
0x21: {  	s3 =	sadd.s32 s3, s9;
	s6 =	sadd.s32 @!p0 $0x88, s6;
	s7 =	simm.s32 @p2 $0x1082  }
0x22: {  	[simem:s7], [sflag:s8] =	dma.local @!p0 [hbm:s6], $0xF7A  }
0x23: {  	s9 =	sor.u32 $0xD0000000, s2;
	s6 =	simm.s32 $0x108;
	_ =	swait.ge @!p0 [sflag:s8], $0x0  }
0x24: {  	s3 =	sadd.s32 $0x88, s3;
	s6 =	simm.s32 @!p1 $0x1082;
	[sflag:s4] =	ssyncset.s32 $0xFFFFF086  }
0x25: {  	[simem:s6], [sflag:s4] =	dma.local [hbm:s3], $0xF7A  }
0x26: {  	[smem:$0x3F8C] =	sst s1;
	(tag) =	ssettag s2;
	_ =	strace s9  }
0x27: {  	s1 =	sld [smem:$0x3F9C]  }
0x28: {  	s2 =	sld [smem:$0x3F9D]  }
0x29: {  	s4 =	sld [smem:$0x3F9F]  }
0x2a: {  	p0 =	seq.s32 s5, $0x0;
	s5 =	sld [smem:$0x3FA0]  }
0x2b: {  	s6 =	sld [smem:$0x3FA1]  }
0x2c: {  	s7 =	sld [smem:$0x3FA2]  }
0x2d: {  	s3 =	simm.s32 $0x108;
	s8 =	sld [smem:$0x3FA3]  }
0x2e: {  	s3 =	simm.s32 @!p0 $0x1082;
	s9 =	sld [smem:$0x3FA4]  }
0x2f: {  	lr =	sadd.s32 s0, s3;
	s0 =	sld [smem:$0x3F9B]  }
0x30: {  	s3 =	sld [smem:$0x3F9E]  }
0x31: {  	[smem:$0x3FA7] =	sst s10  }
0x32: {  	s10 =	sld [smem:$0x3FA5];
	_ =	sdelay $0x3  }
0x33: {  	p0 =	seq.s32 s10, $0x1;
	s10 =	sld [smem:$0x3FA7];
	_ =	sdelay $0x3  }
0x34: {  	[smem:$0x3FA7] =	sst s10  }
0x35: {  	s10 =	sld [smem:$0x3FA6];
	_ =	sdelay $0x3  }
0x36: {  	p1 =	seq.s32 s10, $0x1;
	s10 =	sld [smem:$0x3FA7];
	_ =	sdelay $0x3  }
0x37: {  	[smem:$0x3FA7] =	sst s10  }
0x38: {  	s10 =	sld [smem:$0x3FA8]  }
0x39: {  	_ = 	snop;
	(pc) =	sbr.ind lr, $3  }
0x3a: {  	_ = 	snop  }
0x3b: {  	_ = 	snop  }
0x3c: {  	p2 =	seq.s32 s10, $0x1;
	s10 =	sld [smem:$0x3FA7]  }
0x3d: {  	_ =	shalt  }
0x3e: {  	_ =	shalt  }
0x3f: {  	_ =	shalt  }
0x40: {  	_ =	shalt  }
0x41: {  	_ =	shalt  }
0x42: {  	_ =	shalt  }
0x43: {  	_ =	shalt  }
0x44: {  	_ =	shalt  }
0x45: {  	_ =	shalt  }
0x46: {  	_ =	shalt  }
0x47: {  	_ =	shalt  }
0x48: {  	_ =	shalt  }
0x49: {  	_ =	shalt  }
0x4a: {  	_ =	shalt  }
0x4b: {  	_ =	shalt  }
0x4c: {  	_ =	shalt  }
0x4d: {  	_ =	shalt  }
0x4e: {  	_ =	shalt  }
0x4f: {  	_ =	shalt  }
0x50: {  	_ =	shalt  }
0x51: {  	_ =	shalt  }
0x52: {  	_ =	shalt  }
0x53: {  	_ =	shalt  }
0x54: {  	_ =	shalt  }
0x55: {  	_ =	shalt  }
0x56: {  	_ =	shalt  }
0x57: {  	_ =	shalt  }
0x58: {  	_ =	shalt  }
0x59: {  	_ =	shalt  }
0x5a: {  	_ =	shalt  }
0x5b: {  	_ =	shalt  }
0x5c: {  	_ =	shalt  }
0x5d: {  	_ =	shalt  }
0x5e: {  	_ =	shalt  }
0x5f: {  	_ =	shalt  }
0x60: {  	_ =	shalt  }
0x61: {  	_ =	shalt  }
0x62: {  	_ =	shalt  }
0x63: {  	_ =	shalt  }
0x64: {  	_ =	shalt  }
0x65: {  	_ =	shalt  }
0x66: {  	_ =	shalt  }
0x67: {  	_ =	shalt  }
0x68: {  	_ =	shalt  }
0x69: {  	_ =	shalt  }
0x6a: {  	_ =	shalt  }
0x6b: {  	_ =	shalt  }
0x6c: {  	_ =	shalt  }
0x6d: {  	_ =	shalt  }
0x6e: {  	_ =	shalt  }
0x6f: {  	_ =	shalt  }
0x70: {  	_ =	shalt  }
0x71: {  	_ =	shalt  }
0x72: {  	_ =	shalt  }
0x73: {  	_ =	shalt  }
0x74: {  	_ =	shalt  }
0x75: {  	_ =	shalt  }
0x76: {  	_ =	shalt  }
0x77: {  	_ =	shalt  }
0x78: {  	_ =	shalt  }
0x79: {  	_ =	shalt  }
0x7a: {  	_ =	shalt  }
0x7b: {  	_ =	shalt  }
0x7c: {  	_ =	shalt  }
0x7d: {  	_ =	shalt  }
0x7e: {  	_ =	shalt  }
0x7f: {  	_ =	shalt  }
0x80: {  	_ =	shalt  }
0x81: {  	_ =	shalt  }
0x82: {  	_ =	shalt  }
0x83: {  	_ =	shalt  }
0x84: {  	_ =	shalt  }
0x85: {  	_ =	shalt  }
0x86: {  	_ =	shalt  }
0x87: {  	_ =	shalt  }
.Lfunc_end0:
.L_simem_size_0:
called_computation_lowered:
.L_overlay_start_0:
0x88: {  	s2 =	sld [smem:$0x3FD9]  }
0x89: {  	s3 =	sld [smem:$0x3FFE];
	_ =	sdelay $0x1  }
0x8a: {  	s1 =	srdreg.scid  }
0x8b: {  	s0 =	sand.u32 $0x1, s1  }
0x8c: {  	s16 =	sshll.u32 s0, $0xA;
	s2 =	sadd.s32 s3, s2  }
0x8d: {  	s2 =	sadd.s32 s2, s16  }
0x8e: {  	[smem:$0x3FB3] =	sst s2  }
0x8f: {  	_ = 	snop  }
0x90: {  	(tm) =	ssettm $0x1  }
0x91: {  	s17 =	sld [smem:$0x3FFB];
	_ =	sdelay $0x3  }
0x92: {  	_ =	strace s17  }
0x93: {  	s2 =	sld [smem:$0x3FFC];
	_ =	sdelay $0x3  }
0x94: {  	_ =	strace s2  }
0x95: {  	s2 =	sld [smem:$0x3FFD];
	_ =	sdelay $0x3  }
0x96: {  	_ =	strace s2  }
0x97: {  	_ =	strace $0x8FFFFFFF  }
0x98: {  	s18 =	sld [smem:$0x3FDB];
	_ =	sdelay $0x1  }
0x99: {  	s19 =	simm.s32 $_scs_section_size  }
0x9a: {  	s4 =	simm.s32 $_size__tile_overlayer_lowered;
	s5 =	simm.s32 $_tile_overlayer_lowered  }
0x9b: {  	s22 =	simm.s32 $0x1BFF;
	s21 =	sshll.u32 s5, $0x1;
	s2 =	sadd.s32 s19, s18  }
0x9c: {  	s6 =	simm.s32 $0x0;
	s20 =	sshll.u32 s4, $0x1;
	s4 =	sadd.s32 s21, s2  }
0x9d: {  	[timem:s6], [sflag:s22] =	dma.local [hbm:s4], s20  }
0x9e: {  	_ =	swait.ge [sflag:s22], s20  }
0x9f: {  	s3 =	ssub.s32 $0x0, s20;
	[sflag:s22] =	ssyncset.done $0x0  }
0xa0: {  	[sflag:s22] =	ssyncadd.s32 s3;
	_ =	sdelay $0x1  }
0xa1: {  	s23 =	simm.s32 $0x1B8B  }
0xa2: {  	_ =	swait.ge [sflag:s23], $0x1  }
0xa3: {  	[sflag:s23] =	ssyncset.done $0x0  }
0xa4: {  	s25 =	simm.s32 $0x1B8E;
	s24 =	sld [smem:$0x3FFE];
	[sflag:s23] =	ssyncadd.s32 $0xFFFFFFFF  }
0xa5: {  	s26 =	simm.s32 $execute0_lowered;
	[smem:$0x3FD2] =	sst s25  }
0xa6: {  	s4 =	sshll.u32 s26, $0x1;
	_ =	strace $0x80000046;
	[dreg:$0x1] =	wrdreg $0xFFFFFFFF  }
0xa7: {  	s28 =	simm.s32 $_size_execute0_lowered;
	s2 =	sadd.s32 s2, s4;
	[dreg:$0x0] =	wrdreg $0x0  }
0xa8: {  	s4 =	sshll.u32 s28, $0x1;
	[dreg:$0x2] =	wrdreg s2  }
0xa9: {  	[dreg:$0x3] =	wrdreg s4  }
0xaa: {  	[dreg:$0x4] =	wrdreg $0xC0  }
0xab: {  	_ =	task [dreg:s6], $0x5FFFF  }
0xac: {  	[dreg:$0x1] =	wrdreg $0xFFFFFFFF  }
0xad: {  	[dreg:$0x0] =	wrdreg $0x60  }
0xae: {  	[dreg:$0x2] =	wrdreg s24  }
0xaf: {  	[dreg:$0x3] =	wrdreg $0xB7800  }
0xb0: {  	[dreg:$0x4] =	wrdreg $0x9  }
0xb1: {  	_ =	task.clear_ibuf [dreg:s6], $0x5FFFF;
	_ =	strace $0x90000046  }
0xb2: {  	s29 =	simm.s32 $0x9;
	_ =	strace $0x80000048  }
0xb3: {  	_ =	swait.ge [sflag:s29], $0x1  }
0xb4: {  	[sflag:s29] =	ssyncadd.s32 $0xFFFFFFFF  }
0xb5: {  	_ =	strace $0x90000048  }
0xb6: {  	_ =	sfence  }
0xb7: {  	s30 =	sld [smem:$0x0];
	_ =	sdelay $0x2  }
0xb8: {  	s31 =	sshll.u32 s1, $0xD;
	s1 =	sshrl.u32 s1, $0x2  }
0xb9: {  	s3 =	sand.u32 $0x4000, s31;
	s1 =	sadd.s32 s1, s30  }
0xba: {  	s0 =	sor.u32 s3, s0;
	s1 =	sshll.u32 s1, $0x11  }
0xbb: {  	s0 =	sor.u32 s1, s0  }
0xbc: {  	s0 =	sadd.s32 $0x8F2B, s0  }
0xbd: {  	[sflag:s0] =	ssyncadd.remote.s32 $0x1  }
0xbe: {  	_ =	sfence.sel $0xFFFF  }
0xbf: {  	[dreg:$0x0] =	wrdreg $0xFFFFFFFF;
	(pc) =	sbr.abs _section_cstart, $3  }
0xc0: {  	[dreg:$0x1] =	wrdreg $0xFFFFFFFF  }
0xc1: {  	_ =	task.clear_ibuf [dreg:s6], $0x2FFFF;
	_ =	strace $0x9FFFFFFF  }
0xc2: {  	(tm) =	ssettm $0x7FFFFFFF  }
0xc3: {  	_ =	shalt  }
tec
execute0_lowered:
.L_overlay_start_1:
0x0: {  	(tag) =	ssettag $0x1  }
0x1: {  	s1 =	srdreg.scid  }
0x2: {  	s0 =	stileid.u32;
	s7 =	rddreg [dreg:$0x0]  }
0x3: {  	s2 =	rddreg [dreg:$0x1];
	s3 =	simm.s32 $0x0;
	s14 =	simm.s32 $0x40  }
0x4: {  	s15 =	simm.s32 $0x7780;
	s16 =	simm.s32 $0x9780;
	s17 =	simm.s32 $0x1  }
0x5: {  	s18 =	simm.s32 $0x4;
	s19 =	simm.s32 $0x2;
	s20 =	simm.s32 $0x7480  }
0x6: {  	s21 =	simm.s32 $0x7500;
	s23 =	simm.s32 $0x0;
	s6 =	sand.u32 $0x1, s1  }
0x7: {  	s26 =	sshll.u32 s0, $0x1;
	s1 =	rddreg [dreg:$0x2];
	s9 =	smul.u32 $0x14000, s0  }
0x8: {  	[smem:$0x7FF] =	sst s3;
	s30 =	smul.u32 $0x50000, s0;
	s22 =	sshll.u32 s0, $0x6  }
0x9: {  	p0 =	sgt.u32 s0, $0x3;
	s4 =	sor.u32 s6, s26;
	s8 =	smul.u32 $0x140000, s6  }
0xa: {  	_ =	strace $0x80000047;
	s6 =	ssub.s32 $0x2, s6;
	s5 =	smul.u32 $0x4E8, s4  }
0xb: {  	s10 =	smul.u32 $0xA00, s4;
	s4 =	sadd.s32 $0x22200, s7;
	s31 =	sshrl.u32 s6, $0x1  }
0xc: {  	s28 =	sadd.s32 s9, s8;
	s12 =	ssub.s32 s6, s31;
	s6 =	sor.u32 $0x1C03, s22  }
0xd: {  	s22 =	sor.u32 $0x1C04, s22;
	s11 =	sadd.s32 s5, s7;
	s29 =	sadd.s32 s10, s7  }
0xe: {  	s9 =	sshrl.u32 s28, $0x3;
	s5 =	sadd.s32 $0x97600, s7;
	s10 =	sshrl.u32 s30, $0x2  }
0xf: {  	s9 =	sadd.s32 s9, s7;
	s13 =	sadd.s32 s10, s2;
	s7 =	sadd.s32 $0x4400, s11  }
0x10: {  	s8 =	sadd.s32 $0xE200, s29;
	s10 =	smax.u32 s12, $0x1;
	s12 =	simm.s32 $0x2780  }
0x11: {  	s9 =	sadd.s32 $0x99E00, s9;
	s11 =	sshrl.u32 s13, $0x3;
	s13 =	simm.s32 $0x3  }
.LBB2_1:
0x12: {  	[spmem:s11], [sflag:s6] =	dma.local [hbm:s5], $0x2800  }
0x13: {  	[tilespmem:s3], [sflag:$0x3] =	stream.linear.gather [hbm4b:s7+s3], $0x2740, $0x38;
	[tilespmem:$0x1F780] =	vst v63  }
0x14: {  	_ = 	snop  }
0x15: {  	[tilespmem:s12], [sflag:$0x3] =	stream.linear.gather [hbm4b:s8+s3], $0x4E80, $0x38;
	[tilespmem:$0x1F780] =	vst v63  }
0x16: {  	_ =	swait.ge [sflag:s13], $0x2800  }
0x17: {  	[sflag:s13] =	ssyncset.done $0x0  }
0x18: {  	[sflag:s13] =	ssyncadd.s32 $0xFFFFD800  }
0x19: {  	_ =	swait.ge [sflag:s13], $0x2740  }
0x1a: {  	[sflag:s13] =	ssyncset.done $0x0  }
0x1b: {  	[sflag:s13] =	ssyncadd.s32 $0xFFFFD8C0  }
0x1c: {  	_ =	swait.ge [sflag:s13], $0x4E80  }
0x1d: {  	[sflag:s13] =	ssyncset.done $0x0  }
0x1e: {  	[sflag:s13] =	ssyncadd.s32 $0xFFFFB180  }
0x1f: {  	[bflag:$0x0] =	sbarrier.arrive $0xFFFF  }
0x20: {  	[tilespmem:s15], [sflag:$0x1] =	stream.indirect.gather [hbm4b:s4+s14], $0x80, s3, s14, $0xb8;
	[tilespmem:$0x1F780] =	vst v63  }
0x21: {  	_ = 	snop  }
0x22: {  	[tilespmem:s16], [sflag:$0x2] =	stream.indirect.gather [hbm4b:s4+s14], $0x80, s14, s14, $0xb8;
	[tilespmem:$0x1F780] =	vst v63  }
0x23: {  	_ =	swait.ge [sflag:s17], $0x2000  }
0x24: {  	[sflag:s17] =	ssyncset.done $0x0  }
0x25: {  	s24 =	simm.s32 $0x2780;
	[sflag:s17] =	ssyncadd.s32 $0xFFFFE000  }
0x26: {  	[spmem:s2] =	stream.indirect.scatter.add.f32 [tilespmem:s15], [sflag:$0x4], $0x80, s24, s14, $0xb8;
	[tilespmem:$0x1F780] =	vst v63  }
0x27: {  	_ =	swait.ge [sflag:s18], $0x2000  }
0x28: {  	[sflag:s18] =	ssyncset.done $0x0  }
0x29: {  	s30 =	simm.s32 $0x80;
	[sflag:s18] =	ssyncadd.s32 $0xFFFFE000  }
0x2a: {  	[tilespmem:s15], [sflag:$0x1] =	stream.indirect.gather [hbm4b:s4+s14], $0x80, s30, s14, $0xb8;
	[tilespmem:$0x1F780] =	vst v63  }
0x2b: {  	_ =	swait.ge [sflag:s19], $0x2000  }
0x2c: {  	[sflag:s19] =	ssyncset.done $0x0  }
0x2d: {  	s31 =	simm.s32 $0x2800;
	[sflag:s19] =	ssyncadd.s32 $0xFFFFE000  }
0x2e: {  	[spmem:s2] =	stream.indirect.scatter.add.f32 [tilespmem:s16], [sflag:$0x4], $0x80, s31, s14, $0xb8;
	[tilespmem:$0x1F780] =	vst v63  }
0x2f: {  	_ =	swait.ge [sflag:s18], $0x2000  }
0x30: {  	s25 =	simm.s32 $0x400;
	[sflag:s18] =	ssyncset.done $0x0  }
0x31: {  	s26 =	simm.s32 $0x140;
	s24 =	simm.s32 $0xC0;
	[sflag:s18] =	ssyncadd.s32 $0xFFFFE000  }
.LBB2_2:
0x32: {  	[tilespmem:s16], [sflag:$0x2] =	stream.indirect.gather [hbm4b:s4+s14], $0x80, s24, s14, $0xb8;
	[tilespmem:$0x1F780] =	vst v63  }
0x33: {  	s28 =	smov.u32 s25;
	s24 =	smov.u32 s26  }
0x34: {  	p1 =	sne.s32 s25, $0x13000;
	s25 =	sadd.s32 $0x400, s25;
	_ =	swait.ge [sflag:s17], $0x2000  }
0x35: {  	s28 =	sshra.s32 s28, $0x2;
	[sflag:s17] =	ssyncset.done $0x0  }
0x36: {  	s29 =	sadd.s32 $0x2780, s28;
	[sflag:s17] =	ssyncadd.s32 $0xFFFFE000  }
0x37: {  	[spmem:s2] =	stream.indirect.scatter.add.f32 [tilespmem:s15], [sflag:$0x4], $0x80, s29, s14, $0xb8;
	[tilespmem:$0x1F780] =	vst v63  }
0x38: {  	_ =	swait.ge [sflag:s18], $0x2000  }
0x39: {  	[sflag:s18] =	ssyncset.done $0x0  }
0x3a: {  	s29 =	sadd.s32 $0xFFFFFFC0, s26;
	[sflag:s18] =	ssyncadd.s32 $0xFFFFE000  }
0x3b: {  	[tilespmem:s15], [sflag:$0x1] =	stream.indirect.gather [hbm4b:s4+s14], $0x80, s29, s14, $0xb8;
	[tilespmem:$0x1F780] =	vst v63  }
0x3c: {  	_ =	swait.ge [sflag:s19], $0x2000  }
0x3d: {  	[sflag:s19] =	ssyncset.done $0x0  }
.Ltmp0:
0x3e: {  	s28 =	sadd.s32 $0x2800, s28;
	[sflag:s19] =	ssyncadd.s32 $0xFFFFE000;
	(pc) =	sbr.rel @p1 .LBB2_2-.Ltmp0, $4  }
0x3f: {  	[spmem:s2] =	stream.indirect.scatter.add.f32 [tilespmem:s16], [sflag:$0x4], $0x80, s28, s14, $0xb8;
	[tilespmem:$0x1F780] =	vst v63  }
0x40: {  	_ =	swait.ge [sflag:s18], $0x2000  }
0x41: {  	[sflag:s18] =	ssyncset.done $0x0  }
0x42: {  	s26 =	sadd.s32 $0x80, s26;
	[sflag:s18] =	ssyncadd.s32 $0xFFFFE000  }
0x43: {  	[tilespmem:s16], [sflag:$0x2] =	stream.indirect.gather [hbm4b:s4+s14], $0x80, s24, s14, $0xb8;
	[tilespmem:$0x1F780] =	vst v63  }
0x44: {  	_ =	swait.ge [sflag:s17], $0x2000  }
0x45: {  	[sflag:s17] =	ssyncset.done $0x0  }
0x46: {  	[sflag:s17] =	ssyncadd.s32 $0xFFFFE000  }
0x47: {  	[spmem:s2] =	stream.indirect.scatter.add.f32 [tilespmem:s15], [sflag:$0x4], $0x80, s20, s14, $0xb8;
	[tilespmem:$0x1F780] =	vst v63  }
0x48: {  	_ =	swait.ge [sflag:s18], $0x2000  }
0x49: {  	[sflag:s18] =	ssyncset.done $0x0  }
0x4a: {  	[sflag:s18] =	ssyncadd.s32 $0xFFFFE000  }
0x4b: {  	_ =	swait.ge [sflag:s19], $0x2000  }
0x4c: {  	[sflag:s19] =	ssyncset.done $0x0  }
0x4d: {  	[sflag:s19] =	ssyncadd.s32 $0xFFFFE000  }
0x4e: {  	[spmem:s2] =	stream.indirect.scatter.add.f32 [tilespmem:s16], [sflag:$0x4], $0x80, s21, s14, $0xb8;
	[tilespmem:$0x1F780] =	vst v63  }
0x4f: {  	_ =	swait.ge [sflag:s18], $0x2000  }
0x50: {  	s24 =	simm.s32 @!p0 $0x40;
	[sflag:s18] =	ssyncset.done $0x0  }
0x51: {  	s25 =	simm.s32 @!p0 $0x2700;
	s26 =	simm.s32 @!p0 $0x7780;
	[sflag:s18] =	ssyncadd.s32 $0xFFFFE000  }
0x52: {  	[tilespmem:s26], [sflag:$0x4] =	stream.indirect.gather @!p0 [hbm4b:s4+s24], $0x80, s25, s24, $0xb8;
	[tilespmem:$0x1F780] =	vst v63  }
0x53: {  	s25 =	simm.s32 @!p0 $0x4  }
0x54: {  	_ =	swait.ge @!p0 [sflag:s25], $0x2000  }
0x55: {  	[sflag:s25] =	ssyncset.done @!p0 $0x0  }
0x56: {  	s28 =	simm.s32 @!p0 $0x7580;
	[sflag:s25] =	ssyncadd.s32 @!p0 $0xFFFFE000  }
0x57: {  	[spmem:s2] =	stream.indirect.scatter.add.f32 @!p0 [tilespmem:s26], [sflag:$0x4], $0x80, s28, s24, $0xb8;
	[tilespmem:$0x1F780] =	vst v63  }
0x58: {  	_ =	swait.ge @!p0 [sflag:s25], $0x2000  }
0x59: {  	s23 =	sadd.s32 $0x1, s23;
	[sflag:s25] =	ssyncset.done @!p0 $0x0  }
0x5a: {  	p1 =	sne.s32 s23, s10;
	[sflag:s25] =	ssyncadd.s32 @!p0 $0xFFFFE000  }
.Ltmp1:
0x5b: {  	[bflag:$0x0] =	sbarrier.arrive $0xFFFF;
	(pc) =	sbr.rel @p1 .LBB2_1-.Ltmp1, $4  }
0x5c: {  	[hbm:s9], [sflag:s22] =	dma.local [spmem:s11], $0x2800  }
0x5d: {  	_ =	swait.ge [sflag:s18], $0x2800  }
0x5e: {  	[sflag:s18] =	ssyncset.done $0x0  }
0x5f: {  	[sflag:s18] =	ssyncadd.s32 $0xFFFFD800  }
0x60: {  	_ =	sfence.sel $0x180000  }
0x61: {  	[bflag:$0x0] =	sbarrier.arrive $0xFFFF  }
0x62: {  	p0 =	sne.s32 s0, $0x0;
	_ =	strace $0x90000047  }
0x63: {  	s0 =	sadd.s32 @!p0 $0x100000, s1;
	[bflag:$0x2] =	sbarrier.arrive $0xFFFF  }
0x64: {  	[sflag:s0] =	ssyncadd.tile.s32 @!p0 $0x1;
	_ =	shalt  }
.Lfunc_end2:
_tile_overlayer_lowered:
.L_overlay_start_2:
0x65: {  	(tag) =	ssettag $0x2  }
0x66: {  	s0 =	rddreg [dreg:$0x0];
	s2 =	stileid.u32  }
0x67: {  	s1 =	rddreg [dreg:$0x1];
	p0 =	sne.s32 s2, $0x0  }
0x68: {  	s3 =	rddreg [dreg:$0x2];
	[bflag:$0x3] =	sbarrier.arrive $0xFFFF;
	s2 =	simm.s32 @!p0 $0x1C04  }
0x69: {  	[timem:s3], [sflag:s2] =	dma.local @!p0 [hbm:s0], s1  }
0x6a: {  	s0 =	simm.s32 @!p0 $0x4  }
0x6b: {  	_ =	swait.ge @!p0 [sflag:s0], s1  }
0x6c: {  	s1 =	ssub.s32 @!p0 $0x0, s1;
	[sflag:s0] =	ssyncset.done @!p0 $0x0  }
0x6d: {  	[sflag:s0] =	ssyncadd.s32 @!p0 s1  }
0x6e: {  	[bflag:$0x3] =	sbarrier.arrive $0xFFFF  }
0x6f: {  	_ =	shalt  }

</sc_bundles>
